<compile_context>
chip_gen: v7x
topology: tpu7x:2x2x1
jax: 0.10.2.dev20260603
libtpu: 0.0.44.dev20260713+nightly
codegen_flags: <defaults>
</compile_context>

<pallas_src>
import functools

import jax
import jax.numpy as jnp
from jax import lax
from jax.experimental import pallas as pl
from jax.experimental.pallas import tpu as pltpu
from jax.experimental.pallas import tpu_sc as plsc

_NC = 2
_NS = 16
_NW = _NC * _NS
_D = 128
_SPG = 1
_NBUF = 8


@functools.cache
def _make_gather(n_seq, seq_len):
    assert n_seq % (_NW * _SPG) == 0
    n_chunks = n_seq // (_NW * _SPG)
    spw = n_chunks * _SPG
    c_rows = _SPG * seq_len
    assert n_chunks % _NBUF == 0 and n_chunks >= 2 * _NBUF
    mesh = plsc.VectorSubcoreMesh(core_axis_name="c", subcore_axis_name="s")

    @functools.partial(
        pl.kernel,
        out_type=jax.ShapeDtypeStruct((n_seq, seq_len, _D), jnp.float32),
        mesh=mesh,
        scratch_types=[
            pltpu.VMEM((n_chunks, c_rows), jnp.int32),
            pltpu.VMEM((_NBUF, c_rows, _D), jnp.float32),
            pltpu.SemaphoreType.DMA((_NBUF,)),
            pltpu.SemaphoreType.DMA((_NBUF,)),
        ],
    )
    def body(table, idx, out, idx_v, rows, gsem, wsem):
        wid = lax.axis_index("s") * _NC + lax.axis_index("c")
        seq0 = wid * spw
        pltpu.sync_copy(idx.at[wid], idx_v)

        def fire_writes(b, j):
            for q in range(_SPG):
                pltpu.async_copy(
                    rows.at[b, pl.ds(q * seq_len, seq_len)],
                    out.at[seq0 + j * _SPG + q],
                    wsem.at[b],
                )

        def wait_writes(b):
            for q in range(_SPG):
                pltpu.make_async_copy(
                    rows.at[b, pl.ds(q * seq_len, seq_len)],
                    out.at[seq0],
                    wsem.at[b],
                ).wait()

        for b in range(_NBUF - 1):
            pltpu.async_copy(table.at[idx_v.at[b]], rows.at[b], gsem.at[b])

        @pl.loop(0, n_chunks, step=_NBUF)
        def _(j0):
            for b in range(_NBUF):
                j = j0 + b
                bn = (b - 1) % _NBUF
                pltpu.make_async_copy(
                    table.at[idx_v.at[j]], rows.at[b], gsem.at[b]
                ).wait()
                fire_writes(b, j)
                jn = j + _NBUF - 1

                @pl.when(jn < n_chunks)
                def _():
                    @pl.when(j >= 1)
                    def _():
                        wait_writes(bn)

                    pltpu.async_copy(
                        table.at[idx_v.at[jn]], rows.at[bn], gsem.at[bn]
                    )

        for b in range(_NBUF):
            wait_writes(b)

    return body


def kernel(x, embedding_table):
    n_seq, seq_len = x.shape
    idx = x.astype(jnp.int32).reshape(_NW, n_seq // (_NW * _SPG), _SPG * seq_len)
    return _make_gather(n_seq, seq_len)(embedding_table, idx)

# --- scband reference (transcript-rebuilt; emitter-appended) ---
"""Pipeline reference for scband-input-embedding-32238024524381 (READ-ONLY COPY).

The authoritative reference and input builder live on the scoring server;
editing this copy changes nothing except your own understanding.
"""

import jax, jax.numpy as jnp
import numpy as np

N_VOCAB = 100000
D_MODEL = 128

def setup_inputs(seed: int = 0) -> dict:
    key = jax.random.key(seed)
    k1, k2 = jax.random.split(key)
    x = jax.random.randint(k1, (4096, 50), 0, N_VOCAB, dtype=jnp.int64 if jax.config.jax_enable_x64 else jnp.int32)
    embedding_table = jax.random.normal(k2, (N_VOCAB, D_MODEL), dtype=jnp.float32)
    return {"x": x, "embedding_table": embedding_table}

def reference(x, embedding_table):
    # nn.Embedding forward: gather rows of the table by index
    return jnp.take(embedding_table, x, axis=0)

if __name__ == "__main__":
    import jax
    _d = setup_inputs()
    print(jax.jit(kernel)(*tuple(_d.values())))

</pallas_src>

<mosaic_0001>
#map = affine_map<(d0, d1) -> (0, 0)>
#map1 = affine_map<(d0, d1) -> (0, 0, 0)>
module attributes {stable_mosaic.version = 14 : i64} {
  func.func @body(%arg0: i32, %arg1: i32, %arg2: memref<100000x128xf32, #tpu.memory_space<hbm>>, %arg3: memref<32x128x50xi32, #tpu.memory_space<hbm>>, %arg4: memref<4096x50x128xf32, #tpu.memory_space<hbm>>, %arg5: memref<128x50xi32, #tpu.memory_space<vmem>>, %arg6: memref<8x50x128xf32, #tpu.memory_space<vmem>>, %arg7: memref<8x!tpu.dma_semaphore, #tpu.memory_space<semaphore_mem>>, %arg8: memref<8x!tpu.dma_semaphore, #tpu.memory_space<semaphore_mem>>) attributes {dimension_semantics = [#tpu.dimension_semantics<core_parallel>, #tpu.dimension_semantics<subcore_parallel>], iteration_bounds = array<i64: 2, 16>, scalar_prefetch = 0 : i64, scratch_operands = 4 : i64, tpu.core_type = #tpu.core_type<sc_vector_subcore>, window_params = [{transform_indices = #map}, {transform_indices = #map1}, {transform_indices = #map1}]} {
    %mul3A = arith.constant 2 : i32
    %mul3A_0 = arith.muli %arg1, %mul3A : i32
    %add3A = arith.addi %mul3A_0, %arg0 : i32
    %mul3A_1 = arith.constant 128 : i32
    %mul3A_2 = arith.muli %add3A, %mul3A_1 : i32
    "tpu.region"() ({
      %run_scoped3A = tpu.sem_alloc : memref<!tpu.dma_semaphore, #tpu.memory_space<semaphore_mem>>
      %dma_start3A_270 = arith.constant 0 : i32
      %dma_start3A_271 = arith.constant 0 : i32
      %dma_start3A_272 = tpu.memref_slice %arg3[%add3A, %dma_start3A_270, %dma_start3A_271] : memref<32x128x50xi32, #tpu.memory_space<hbm>> -> memref<1x128x50xi32, #tpu.memory_space<hbm>>
      %dma_start3A_273 = tpu.memref_squeeze %dma_start3A_272 : memref<1x128x50xi32, #tpu.memory_space<hbm>> -> memref<128x50xi32, #tpu.memory_space<hbm>>
      %dma_start3A_274 = arith.constant 0 : i32
      %dma_start3A_275 = arith.constant 0 : i32
      %dma_start3A_276 = tpu.memref_slice %arg3[%add3A, %dma_start3A_274, %dma_start3A_275] : memref<32x128x50xi32, #tpu.memory_space<hbm>> -> memref<1x128x50xi32, #tpu.memory_space<hbm>>
      %dma_start3A_277 = tpu.memref_squeeze %dma_start3A_276 : memref<1x128x50xi32, #tpu.memory_space<hbm>> -> memref<128x50xi32, #tpu.memory_space<hbm>>
      tpu.enqueue_dma source(%dma_start3A_277 : memref<128x50xi32, #tpu.memory_space<hbm>>) target(%arg5 : memref<128x50xi32, #tpu.memory_space<vmem>>) target_semaphore(%run_scoped3A : memref<!tpu.dma_semaphore, #tpu.memory_space<semaphore_mem>>)
      %dma_wait3A_278 = arith.constant 0 : i32
      %dma_wait3A_279 = arith.constant 0 : i32
      %dma_wait3A_280 = tpu.memref_slice %arg3[%add3A, %dma_wait3A_278, %dma_wait3A_279] : memref<32x128x50xi32, #tpu.memory_space<hbm>> -> memref<1x128x50xi32, #tpu.memory_space<hbm>>
      %dma_wait3A_281 = tpu.memref_squeeze %dma_wait3A_280 : memref<1x128x50xi32, #tpu.memory_space<hbm>> -> memref<128x50xi32, #tpu.memory_space<hbm>>
      %dma_wait3A_282 = arith.constant 0 : i32
      %dma_wait3A_283 = arith.constant 0 : i32
      %dma_wait3A_284 = tpu.memref_slice %arg3[%add3A, %dma_wait3A_282, %dma_wait3A_283] : memref<32x128x50xi32, #tpu.memory_space<hbm>> -> memref<1x128x50xi32, #tpu.memory_space<hbm>>
      %dma_wait3A_285 = tpu.memref_squeeze %dma_wait3A_284 : memref<1x128x50xi32, #tpu.memory_space<hbm>> -> memref<128x50xi32, #tpu.memory_space<hbm>>
      tpu.wait_dma2 semaphore(%run_scoped3A : memref<!tpu.dma_semaphore, #tpu.memory_space<semaphore_mem>>) src(%dma_wait3A_285 : memref<128x50xi32, #tpu.memory_space<hbm>>) dst(%arg5 : memref<128x50xi32, #tpu.memory_space<vmem>>)
      tpu.yield
    }) : () -> ()
    %dma_start3A = arith.constant 0 : i32
    %dma_start3A_3 = arith.constant 0 : i32
    %dma_start3A_4 = arith.constant 0 : i32
    %dma_start3A_5 = arith.constant 0 : i32
    %dma_start3A_6 = arith.constant 0 : i32
    %dma_start3A_7 = tpu.memref_slice %arg6[%dma_start3A_3, %dma_start3A_5, %dma_start3A_6] : memref<8x50x128xf32, #tpu.memory_space<vmem>> -> memref<1x50x128xf32, #tpu.memory_space<vmem>>
    %dma_start3A_8 = tpu.memref_squeeze %dma_start3A_7 : memref<1x50x128xf32, #tpu.memory_space<vmem>> -> memref<50x128xf32, #tpu.memory_space<vmem>>
    %dma_start3A_9 = arith.constant 0 : i32
    %dma_start3A_10 = tpu.memref_slice %arg5[%dma_start3A, %dma_start3A_9] : memref<128x50xi32, #tpu.memory_space<vmem>> -> memref<1x50xi32, #tpu.memory_space<vmem>>
    %dma_start3A_11 = tpu.memref_squeeze %dma_start3A_10 : memref<1x50xi32, #tpu.memory_space<vmem>> -> memref<50xi32, #tpu.memory_space<vmem>>
    %dma_start3A_12 = arith.constant 0 : i32
    %dma_start3A_13 = arith.constant 0 : i32
    %dma_start3A_14 = tpu.memref_slice %arg2[%dma_start3A_12, %dma_start3A_13] : memref<100000x128xf32, #tpu.memory_space<hbm>> -> memref<100000x128xf32, #tpu.memory_space<hbm>>
    %dma_start3A_15 = tpu.memref_slice %arg7[%dma_start3A_4] : memref<8x!tpu.dma_semaphore, #tpu.memory_space<semaphore_mem>> -> memref<1x!tpu.dma_semaphore, #tpu.memory_space<semaphore_mem>>
    %dma_start3A_16 = tpu.memref_squeeze %dma_start3A_15 : memref<1x!tpu.dma_semaphore, #tpu.memory_space<semaphore_mem>> -> memref<!tpu.dma_semaphore, #tpu.memory_space<semaphore_mem>>
    tpu.enqueue_indirect_dma source(%dma_start3A_14 : memref<100000x128xf32, #tpu.memory_space<hbm>>) target(%dma_start3A_8 : memref<50x128xf32, #tpu.memory_space<vmem>>) offsets(%dma_start3A_11 : memref<50xi32, #tpu.memory_space<vmem>>) semaphore(%dma_start3A_16 : memref<!tpu.dma_semaphore, #tpu.memory_space<semaphore_mem>>)
    %dma_start3A_17 = arith.constant 1 : i32
    %dma_start3A_18 = arith.constant 1 : i32
    %dma_start3A_19 = arith.constant 1 : i32
    %dma_start3A_20 = arith.constant 0 : i32
    %dma_start3A_21 = arith.constant 0 : i32
    %dma_start3A_22 = tpu.memref_slice %arg6[%dma_start3A_18, %dma_start3A_20, %dma_start3A_21] : memref<8x50x128xf32, #tpu.memory_space<vmem>> -> memref<1x50x128xf32, #tpu.memory_space<vmem>>
    %dma_start3A_23 = tpu.memref_squeeze %dma_start3A_22 : memref<1x50x128xf32, #tpu.memory_space<vmem>> -> memref<50x128xf32, #tpu.memory_space<vmem>>
    %dma_start3A_24 = arith.constant 0 : i32
    %dma_start3A_25 = tpu.memref_slice %arg5[%dma_start3A_17, %dma_start3A_24] : memref<128x50xi32, #tpu.memory_space<vmem>> -> memref<1x50xi32, #tpu.memory_space<vmem>>
    %dma_start3A_26 = tpu.memref_squeeze %dma_start3A_25 : memref<1x50xi32, #tpu.memory_space<vmem>> -> memref<50xi32, #tpu.memory_space<vmem>>
    %dma_start3A_27 = arith.constant 0 : i32
    %dma_start3A_28 = arith.constant 0 : i32
    %dma_start3A_29 = tpu.memref_slice %arg2[%dma_start3A_27, %dma_start3A_28] : memref<100000x128xf32, #tpu.memory_space<hbm>> -> memref<100000x128xf32, #tpu.memory_space<hbm>>
    %dma_start3A_30 = tpu.memref_slice %arg7[%dma_start3A_19] : memref<8x!tpu.dma_semaphore, #tpu.memory_space<semaphore_mem>> -> memref<1x!tpu.dma_semaphore, #tpu.memory_space<semaphore_mem>>
    %dma_start3A_31 = tpu.memref_squeeze %dma_start3A_30 : memref<1x!tpu.dma_semaphore, #tpu.memory_space<semaphore_mem>> -> memref<!tpu.dma_semaphore, #tpu.memory_space<semaphore_mem>>
    tpu.enqueue_indirect_dma source(%dma_start3A_29 : memref<100000x128xf32, #tpu.memory_space<hbm>>) target(%dma_start3A_23 : memref<50x128xf32, #tpu.memory_space<vmem>>) offsets(%dma_start3A_26 : memref<50xi32, #tpu.memory_space<vmem>>) semaphore(%dma_start3A_31 : memref<!tpu.dma_semaphore, #tpu.memory_space<semaphore_mem>>)
    %dma_start3A_32 = arith.constant 2 : i32
    %dma_start3A_33 = arith.constant 2 : i32
    %dma_start3A_34 = arith.constant 2 : i32
    %dma_start3A_35 = arith.constant 0 : i32
    %dma_start3A_36 = arith.constant 0 : i32
    %dma_start3A_37 = tpu.memref_slice %arg6[%dma_start3A_33, %dma_start3A_35, %dma_start3A_36] : memref<8x50x128xf32, #tpu.memory_space<vmem>> -> memref<1x50x128xf32, #tpu.memory_space<vmem>>
    %dma_start3A_38 = tpu.memref_squeeze %dma_start3A_37 : memref<1x50x128xf32, #tpu.memory_space<vmem>> -> memref<50x128xf32, #tpu.memory_space<vmem>>
    %dma_start3A_39 = arith.constant 0 : i32
    %dma_start3A_40 = tpu.memref_slice %arg5[%dma_start3A_32, %dma_start3A_39] : memref<128x50xi32, #tpu.memory_space<vmem>> -> memref<1x50xi32, #tpu.memory_space<vmem>>
    %dma_start3A_41 = tpu.memref_squeeze %dma_start3A_40 : memref<1x50xi32, #tpu.memory_space<vmem>> -> memref<50xi32, #tpu.memory_space<vmem>>
    %dma_start3A_42 = arith.constant 0 : i32
    %dma_start3A_43 = arith.constant 0 : i32
    %dma_start3A_44 = tpu.memref_slice %arg2[%dma_start3A_42, %dma_start3A_43] : memref<100000x128xf32, #tpu.memory_space<hbm>> -> memref<100000x128xf32, #tpu.memory_space<hbm>>
    %dma_start3A_45 = tpu.memref_slice %arg7[%dma_start3A_34] : memref<8x!tpu.dma_semaphore, #tpu.memory_space<semaphore_mem>> -> memref<1x!tpu.dma_semaphore, #tpu.memory_space<semaphore_mem>>
    %dma_start3A_46 = tpu.memref_squeeze %dma_start3A_45 : memref<1x!tpu.dma_semaphore, #tpu.memory_space<semaphore_mem>> -> memref<!tpu.dma_semaphore, #tpu.memory_space<semaphore_mem>>
    tpu.enqueue_indirect_dma source(%dma_start3A_44 : memref<100000x128xf32, #tpu.memory_space<hbm>>) target(%dma_start3A_38 : memref<50x128xf32, #tpu.memory_space<vmem>>) offsets(%dma_start3A_41 : memref<50xi32, #tpu.memory_space<vmem>>) semaphore(%dma_start3A_46 : memref<!tpu.dma_semaphore, #tpu.memory_space<semaphore_mem>>)
    %dma_start3A_47 = arith.constant 3 : i32
    %dma_start3A_48 = arith.constant 3 : i32
    %dma_start3A_49 = arith.constant 3 : i32
    %dma_start3A_50 = arith.constant 0 : i32
    %dma_start3A_51 = arith.constant 0 : i32
    %dma_start3A_52 = tpu.memref_slice %arg6[%dma_start3A_48, %dma_start3A_50, %dma_start3A_51] : memref<8x50x128xf32, #tpu.memory_space<vmem>> -> memref<1x50x128xf32, #tpu.memory_space<vmem>>
    %dma_start3A_53 = tpu.memref_squeeze %dma_start3A_52 : memref<1x50x128xf32, #tpu.memory_space<vmem>> -> memref<50x128xf32, #tpu.memory_space<vmem>>
    %dma_start3A_54 = arith.constant 0 : i32
    %dma_start3A_55 = tpu.memref_slice %arg5[%dma_start3A_47, %dma_start3A_54] : memref<128x50xi32, #tpu.memory_space<vmem>> -> memref<1x50xi32, #tpu.memory_space<vmem>>
    %dma_start3A_56 = tpu.memref_squeeze %dma_start3A_55 : memref<1x50xi32, #tpu.memory_space<vmem>> -> memref<50xi32, #tpu.memory_space<vmem>>
    %dma_start3A_57 = arith.constant 0 : i32
    %dma_start3A_58 = arith.constant 0 : i32
    %dma_start3A_59 = tpu.memref_slice %arg2[%dma_start3A_57, %dma_start3A_58] : memref<100000x128xf32, #tpu.memory_space<hbm>> -> memref<100000x128xf32, #tpu.memory_space<hbm>>
    %dma_start3A_60 = tpu.memref_slice %arg7[%dma_start3A_49] : memref<8x!tpu.dma_semaphore, #tpu.memory_space<semaphore_mem>> -> memref<1x!tpu.dma_semaphore, #tpu.memory_space<semaphore_mem>>
    %dma_start3A_61 = tpu.memref_squeeze %dma_start3A_60 : memref<1x!tpu.dma_semaphore, #tpu.memory_space<semaphore_mem>> -> memref<!tpu.dma_semaphore, #tpu.memory_space<semaphore_mem>>
    tpu.enqueue_indirect_dma source(%dma_start3A_59 : memref<100000x128xf32, #tpu.memory_space<hbm>>) target(%dma_start3A_53 : memref<50x128xf32, #tpu.memory_space<vmem>>) offsets(%dma_start3A_56 : memref<50xi32, #tpu.memory_space<vmem>>) semaphore(%dma_start3A_61 : memref<!tpu.dma_semaphore, #tpu.memory_space<semaphore_mem>>)
    %dma_start3A_62 = arith.constant 4 : i32
    %dma_start3A_63 = arith.constant 4 : i32
    %dma_start3A_64 = arith.constant 4 : i32
    %dma_start3A_65 = arith.constant 0 : i32
    %dma_start3A_66 = arith.constant 0 : i32
    %dma_start3A_67 = tpu.memref_slice %arg6[%dma_start3A_63, %dma_start3A_65, %dma_start3A_66] : memref<8x50x128xf32, #tpu.memory_space<vmem>> -> memref<1x50x128xf32, #tpu.memory_space<vmem>>
    %dma_start3A_68 = tpu.memref_squeeze %dma_start3A_67 : memref<1x50x128xf32, #tpu.memory_space<vmem>> -> memref<50x128xf32, #tpu.memory_space<vmem>>
    %dma_start3A_69 = arith.constant 0 : i32
    %dma_start3A_70 = tpu.memref_slice %arg5[%dma_start3A_62, %dma_start3A_69] : memref<128x50xi32, #tpu.memory_space<vmem>> -> memref<1x50xi32, #tpu.memory_space<vmem>>
    %dma_start3A_71 = tpu.memref_squeeze %dma_start3A_70 : memref<1x50xi32, #tpu.memory_space<vmem>> -> memref<50xi32, #tpu.memory_space<vmem>>
    %dma_start3A_72 = arith.constant 0 : i32
    %dma_start3A_73 = arith.constant 0 : i32
    %dma_start3A_74 = tpu.memref_slice %arg2[%dma_start3A_72, %dma_start3A_73] : memref<100000x128xf32, #tpu.memory_space<hbm>> -> memref<100000x128xf32, #tpu.memory_space<hbm>>
    %dma_start3A_75 = tpu.memref_slice %arg7[%dma_start3A_64] : memref<8x!tpu.dma_semaphore, #tpu.memory_space<semaphore_mem>> -> memref<1x!tpu.dma_semaphore, #tpu.memory_space<semaphore_mem>>
    %dma_start3A_76 = tpu.memref_squeeze %dma_start3A_75 : memref<1x!tpu.dma_semaphore, #tpu.memory_space<semaphore_mem>> -> memref<!tpu.dma_semaphore, #tpu.memory_space<semaphore_mem>>
    tpu.enqueue_indirect_dma source(%dma_start3A_74 : memref<100000x128xf32, #tpu.memory_space<hbm>>) target(%dma_start3A_68 : memref<50x128xf32, #tpu.memory_space<vmem>>) offsets(%dma_start3A_71 : memref<50xi32, #tpu.memory_space<vmem>>) semaphore(%dma_start3A_76 : memref<!tpu.dma_semaphore, #tpu.memory_space<semaphore_mem>>)
    %dma_start3A_77 = arith.constant 5 : i32
    %dma_start3A_78 = arith.constant 5 : i32
    %dma_start3A_79 = arith.constant 5 : i32
    %dma_start3A_80 = arith.constant 0 : i32
    %dma_start3A_81 = arith.constant 0 : i32
    %dma_start3A_82 = tpu.memref_slice %arg6[%dma_start3A_78, %dma_start3A_80, %dma_start3A_81] : memref<8x50x128xf32, #tpu.memory_space<vmem>> -> memref<1x50x128xf32, #tpu.memory_space<vmem>>
    %dma_start3A_83 = tpu.memref_squeeze %dma_start3A_82 : memref<1x50x128xf32, #tpu.memory_space<vmem>> -> memref<50x128xf32, #tpu.memory_space<vmem>>
    %dma_start3A_84 = arith.constant 0 : i32
    %dma_start3A_85 = tpu.memref_slice %arg5[%dma_start3A_77, %dma_start3A_84] : memref<128x50xi32, #tpu.memory_space<vmem>> -> memref<1x50xi32, #tpu.memory_space<vmem>>
    %dma_start3A_86 = tpu.memref_squeeze %dma_start3A_85 : memref<1x50xi32, #tpu.memory_space<vmem>> -> memref<50xi32, #tpu.memory_space<vmem>>
    %dma_start3A_87 = arith.constant 0 : i32
    %dma_start3A_88 = arith.constant 0 : i32
    %dma_start3A_89 = tpu.memref_slice %arg2[%dma_start3A_87, %dma_start3A_88] : memref<100000x128xf32, #tpu.memory_space<hbm>> -> memref<100000x128xf32, #tpu.memory_space<hbm>>
    %dma_start3A_90 = tpu.memref_slice %arg7[%dma_start3A_79] : memref<8x!tpu.dma_semaphore, #tpu.memory_space<semaphore_mem>> -> memref<1x!tpu.dma_semaphore, #tpu.memory_space<semaphore_mem>>
    %dma_start3A_91 = tpu.memref_squeeze %dma_start3A_90 : memref<1x!tpu.dma_semaphore, #tpu.memory_space<semaphore_mem>> -> memref<!tpu.dma_semaphore, #tpu.memory_space<semaphore_mem>>
    tpu.enqueue_indirect_dma source(%dma_start3A_89 : memref<100000x128xf32, #tpu.memory_space<hbm>>) target(%dma_start3A_83 : memref<50x128xf32, #tpu.memory_space<vmem>>) offsets(%dma_start3A_86 : memref<50xi32, #tpu.memory_space<vmem>>) semaphore(%dma_start3A_91 : memref<!tpu.dma_semaphore, #tpu.memory_space<semaphore_mem>>)
    %dma_start3A_92 = arith.constant 6 : i32
    %dma_start3A_93 = arith.constant 6 : i32
    %dma_start3A_94 = arith.constant 6 : i32
    %dma_start3A_95 = arith.constant 0 : i32
    %dma_start3A_96 = arith.constant 0 : i32
    %dma_start3A_97 = tpu.memref_slice %arg6[%dma_start3A_93, %dma_start3A_95, %dma_start3A_96] : memref<8x50x128xf32, #tpu.memory_space<vmem>> -> memref<1x50x128xf32, #tpu.memory_space<vmem>>
    %dma_start3A_98 = tpu.memref_squeeze %dma_start3A_97 : memref<1x50x128xf32, #tpu.memory_space<vmem>> -> memref<50x128xf32, #tpu.memory_space<vmem>>
    %dma_start3A_99 = arith.constant 0 : i32
    %dma_start3A_100 = tpu.memref_slice %arg5[%dma_start3A_92, %dma_start3A_99] : memref<128x50xi32, #tpu.memory_space<vmem>> -> memref<1x50xi32, #tpu.memory_space<vmem>>
    %dma_start3A_101 = tpu.memref_squeeze %dma_start3A_100 : memref<1x50xi32, #tpu.memory_space<vmem>> -> memref<50xi32, #tpu.memory_space<vmem>>
    %dma_start3A_102 = arith.constant 0 : i32
    %dma_start3A_103 = arith.constant 0 : i32
    %dma_start3A_104 = tpu.memref_slice %arg2[%dma_start3A_102, %dma_start3A_103] : memref<100000x128xf32, #tpu.memory_space<hbm>> -> memref<100000x128xf32, #tpu.memory_space<hbm>>
    %dma_start3A_105 = tpu.memref_slice %arg7[%dma_start3A_94] : memref<8x!tpu.dma_semaphore, #tpu.memory_space<semaphore_mem>> -> memref<1x!tpu.dma_semaphore, #tpu.memory_space<semaphore_mem>>
    %dma_start3A_106 = tpu.memref_squeeze %dma_start3A_105 : memref<1x!tpu.dma_semaphore, #tpu.memory_space<semaphore_mem>> -> memref<!tpu.dma_semaphore, #tpu.memory_space<semaphore_mem>>
    tpu.enqueue_indirect_dma source(%dma_start3A_104 : memref<100000x128xf32, #tpu.memory_space<hbm>>) target(%dma_start3A_98 : memref<50x128xf32, #tpu.memory_space<vmem>>) offsets(%dma_start3A_101 : memref<50xi32, #tpu.memory_space<vmem>>) semaphore(%dma_start3A_106 : memref<!tpu.dma_semaphore, #tpu.memory_space<semaphore_mem>>)
    %scan3A = arith.constant 0 : i32
    %scan3A_107 = arith.constant 16 : i32
    %scan3A_108 = arith.addi %scan3A, %scan3A_107 : i32
    %scan3A_109 = arith.constant 1 : i32
    scf.for %scan3A_270 = %scan3A to %scan3A_108 step %scan3A_109  : i32 {
      %mul3A_271 = arith.constant 8 : i32
      %mul3A_272 = arith.muli %scan3A_270, %mul3A_271 : i32
      %add3A_273 = arith.constant 0 : i32
      %add3A_274 = arith.addi %add3A_273, %mul3A_272 : i32
      %add3A_275 = arith.constant 0 : i32
      %add3A_276 = arith.addi %add3A_274, %add3A_275 : i32
      %dma_wait3A_277 = arith.constant 0 : i32
      %dma_wait3A_278 = arith.constant 0 : i32
      %dma_wait3A_279 = arith.constant 0 : i32
      %dma_wait3A_280 = arith.constant 0 : i32
      %dma_wait3A_281 = tpu.memref_slice %arg6[%dma_wait3A_277, %dma_wait3A_279, %dma_wait3A_280] : memref<8x50x128xf32, #tpu.memory_space<vmem>> -> memref<1x50x128xf32, #tpu.memory_space<vmem>>
      %dma_wait3A_282 = tpu.memref_squeeze %dma_wait3A_281 : memref<1x50x128xf32, #tpu.memory_space<vmem>> -> memref<50x128xf32, #tpu.memory_space<vmem>>
      %dma_wait3A_283 = arith.constant 0 : i32
      %dma_wait3A_284 = tpu.memref_slice %arg5[%add3A_276, %dma_wait3A_283] : memref<128x50xi32, #tpu.memory_space<vmem>> -> memref<1x50xi32, #tpu.memory_space<vmem>>
      %dma_wait3A_285 = tpu.memref_squeeze %dma_wait3A_284 : memref<1x50xi32, #tpu.memory_space<vmem>> -> memref<50xi32, #tpu.memory_space<vmem>>
      %dma_wait3A_286 = arith.constant 0 : i32
      %dma_wait3A_287 = arith.constant 0 : i32
      %dma_wait3A_288 = tpu.memref_slice %arg2[%dma_wait3A_286, %dma_wait3A_287] : memref<100000x128xf32, #tpu.memory_space<hbm>> -> memref<100000x128xf32, #tpu.memory_space<hbm>>
      %dma_wait3A_289 = tpu.memref_slice %arg7[%dma_wait3A_278] : memref<8x!tpu.dma_semaphore, #tpu.memory_space<semaphore_mem>> -> memref<1x!tpu.dma_semaphore, #tpu.memory_space<semaphore_mem>>
      %dma_wait3A_290 = tpu.memref_squeeze %dma_wait3A_289 : memref<1x!tpu.dma_semaphore, #tpu.memory_space<semaphore_mem>> -> memref<!tpu.dma_semaphore, #tpu.memory_space<semaphore_mem>>
      tpu.wait_indirect_dma semaphore(%dma_wait3A_290 : memref<!tpu.dma_semaphore, #tpu.memory_space<semaphore_mem>>) src(%dma_wait3A_288 : memref<100000x128xf32, #tpu.memory_space<hbm>>) dst(%dma_wait3A_282 : memref<50x128xf32, #tpu.memory_space<vmem>>)
      %mul3A_291 = arith.constant 1 : i32
      %mul3A_292 = arith.muli %add3A_276, %mul3A_291 : i32
      %add3A_293 = arith.addi %mul3A_2, %mul3A_292 : i32
      %add3A_294 = arith.constant 0 : i32
      %add3A_295 = arith.addi %add3A_293, %add3A_294 : i32
      %dma_start3A_296 = arith.constant 0 : i32
      %dma_start3A_297 = arith.constant 0 : i32
      %dma_start3A_298 = arith.constant 0 : i32
      %dma_start3A_299 = arith.constant 0 : i32
      %dma_start3A_300 = tpu.memref_slice %arg6[%dma_start3A_296, %dma_start3A_298, %dma_start3A_299] : memref<8x50x128xf32, #tpu.memory_space<vmem>> -> memref<1x50x128xf32, #tpu.memory_space<vmem>>
      %dma_start3A_301 = tpu.memref_squeeze %dma_start3A_300 : memref<1x50x128xf32, #tpu.memory_space<vmem>> -> memref<50x128xf32, #tpu.memory_space<vmem>>
      %dma_start3A_302 = arith.constant 0 : i32
      %dma_start3A_303 = arith.constant 0 : i32
      %dma_start3A_304 = tpu.memref_slice %arg4[%add3A_295, %dma_start3A_302, %dma_start3A_303] : memref<4096x50x128xf32, #tpu.memory_space<hbm>> -> memref<1x50x128xf32, #tpu.memory_space<hbm>>
      %dma_start3A_305 = tpu.memref_squeeze %dma_start3A_304 : memref<1x50x128xf32, #tpu.memory_space<hbm>> -> memref<50x128xf32, #tpu.memory_space<hbm>>
      %dma_start3A_306 = tpu.memref_slice %arg8[%dma_start3A_297] : memref<8x!tpu.dma_semaphore, #tpu.memory_space<semaphore_mem>> -> memref<1x!tpu.dma_semaphore, #tpu.memory_space<semaphore_mem>>
      %dma_start3A_307 = tpu.memref_squeeze %dma_start3A_306 : memref<1x!tpu.dma_semaphore, #tpu.memory_space<semaphore_mem>> -> memref<!tpu.dma_semaphore, #tpu.memory_space<semaphore_mem>>
      %dma_start3A_308 = arith.constant 0 : i32
      %dma_start3A_309 = arith.constant 0 : i32
      %dma_start3A_310 = tpu.memref_slice %arg4[%add3A_295, %dma_start3A_308, %dma_start3A_309] : memref<4096x50x128xf32, #tpu.memory_space<hbm>> -> memref<1x50x128xf32, #tpu.memory_space<hbm>>
      %dma_start3A_311 = tpu.memref_squeeze %dma_start3A_310 : memref<1x50x128xf32, #tpu.memory_space<hbm>> -> memref<50x128xf32, #tpu.memory_space<hbm>>
      %dma_start3A_312 = arith.constant 0 : i32
      %dma_start3A_313 = arith.constant 0 : i32
      %dma_start3A_314 = tpu.memref_slice %arg6[%dma_start3A_296, %dma_start3A_312, %dma_start3A_313] : memref<8x50x128xf32, #tpu.memory_space<vmem>> -> memref<1x50x128xf32, #tpu.memory_space<vmem>>
      %dma_start3A_315 = tpu.memref_squeeze %dma_start3A_314 : memref<1x50x128xf32, #tpu.memory_space<vmem>> -> memref<50x128xf32, #tpu.memory_space<vmem>>
      tpu.enqueue_dma source(%dma_start3A_315 : memref<50x128xf32, #tpu.memory_space<vmem>>) target(%dma_start3A_311 : memref<50x128xf32, #tpu.memory_space<hbm>>) target_semaphore(%dma_start3A_307 : memref<!tpu.dma_semaphore, #tpu.memory_space<semaphore_mem>>)
      %add3A_316 = arith.constant 8 : i32
      %add3A_317 = arith.addi %add3A_276, %add3A_316 : i32
      %sub3A = arith.constant 1 : i32
      %sub3A_318 = arith.subi %add3A_317, %sub3A : i32
      %lt3A = arith.constant 128 : i32
      %lt3A_319 = arith.cmpi slt, %sub3A_318, %lt3A : i32
      %convert_element_type3A = arith.extui %lt3A_319 : i1 to i32
      %cond3A = arith.constant 0 : i32
      %cond3A_320 = arith.cmpi ne, %convert_element_type3A, %cond3A : i32
      scf.if %cond3A_320 {
        %ge3A = arith.constant 1 : i32
        %ge3A_671 = arith.cmpi sge, %add3A_276, %ge3A : i32
        %convert_element_type3A_672 = arith.extui %ge3A_671 : i1 to i32
        %cond3A_673 = arith.constant 0 : i32
        %cond3A_674 = arith.cmpi ne, %convert_element_type3A_672, %cond3A_673 : i32
        scf.if %cond3A_674 {
          %dma_wait3A_689 = arith.constant 7 : i32
          %dma_wait3A_690 = arith.constant 7 : i32
          %dma_wait3A_691 = arith.constant 0 : i32
          %dma_wait3A_692 = arith.constant 0 : i32
          %dma_wait3A_693 = tpu.memref_slice %arg6[%dma_wait3A_689, %dma_wait3A_691, %dma_wait3A_692] : memref<8x50x128xf32, #tpu.memory_space<vmem>> -> memref<1x50x128xf32, #tpu.memory_space<vmem>>
          %dma_wait3A_694 = tpu.memref_squeeze %dma_wait3A_693 : memref<1x50x128xf32, #tpu.memory_space<vmem>> -> memref<50x128xf32, #tpu.memory_space<vmem>>
          %dma_wait3A_695 = arith.constant 0 : i32
          %dma_wait3A_696 = arith.constant 0 : i32
          %dma_wait3A_697 = tpu.memref_slice %arg4[%mul3A_2, %dma_wait3A_695, %dma_wait3A_696] : memref<4096x50x128xf32, #tpu.memory_space<hbm>> -> memref<1x50x128xf32, #tpu.memory_space<hbm>>
          %dma_wait3A_698 = tpu.memref_squeeze %dma_wait3A_697 : memref<1x50x128xf32, #tpu.memory_space<hbm>> -> memref<50x128xf32, #tpu.memory_space<hbm>>
          %dma_wait3A_699 = tpu.memref_slice %arg8[%dma_wait3A_690] : memref<8x!tpu.dma_semaphore, #tpu.memory_space<semaphore_mem>> -> memref<1x!tpu.dma_semaphore, #tpu.memory_space<semaphore_mem>>
          %dma_wait3A_700 = tpu.memref_squeeze %dma_wait3A_699 : memref<1x!tpu.dma_semaphore, #tpu.memory_space<semaphore_mem>> -> memref<!tpu.dma_semaphore, #tpu.memory_space<semaphore_mem>>
          %dma_wait3A_701 = arith.constant 0 : i32
          %dma_wait3A_702 = arith.constant 0 : i32
          %dma_wait3A_703 = tpu.memref_slice %arg4[%mul3A_2, %dma_wait3A_701, %dma_wait3A_702] : memref<4096x50x128xf32, #tpu.memory_space<hbm>> -> memref<1x50x128xf32, #tpu.memory_space<hbm>>
          %dma_wait3A_704 = tpu.memref_squeeze %dma_wait3A_703 : memref<1x50x128xf32, #tpu.memory_space<hbm>> -> memref<50x128xf32, #tpu.memory_space<hbm>>
          %dma_wait3A_705 = arith.constant 0 : i32
          %dma_wait3A_706 = arith.constant 0 : i32
          %dma_wait3A_707 = tpu.memref_slice %arg6[%dma_wait3A_689, %dma_wait3A_705, %dma_wait3A_706] : memref<8x50x128xf32, #tpu.memory_space<vmem>> -> memref<1x50x128xf32, #tpu.memory_space<vmem>>
          %dma_wait3A_708 = tpu.memref_squeeze %dma_wait3A_707 : memref<1x50x128xf32, #tpu.memory_space<vmem>> -> memref<50x128xf32, #tpu.memory_space<vmem>>
          tpu.wait_dma2 semaphore(%dma_wait3A_700 : memref<!tpu.dma_semaphore, #tpu.memory_space<semaphore_mem>>) src(%dma_wait3A_708 : memref<50x128xf32, #tpu.memory_space<vmem>>) dst(%dma_wait3A_704 : memref<50x128xf32, #tpu.memory_space<hbm>>)
        } else {
        }
        %dma_start3A_675 = arith.constant 7 : i32
        %dma_start3A_676 = arith.constant 7 : i32
        %dma_start3A_677 = arith.constant 0 : i32
        %dma_start3A_678 = arith.constant 0 : i32
        %dma_start3A_679 = tpu.memref_slice %arg6[%dma_start3A_675, %dma_start3A_677, %dma_start3A_678] : memref<8x50x128xf32, #tpu.memory_space<vmem>> -> memref<1x50x128xf32, #tpu.memory_space<vmem>>
        %dma_start3A_680 = tpu.memref_squeeze %dma_start3A_679 : memref<1x50x128xf32, #tpu.memory_space<vmem>> -> memref<50x128xf32, #tpu.memory_space<vmem>>
        %dma_start3A_681 = arith.constant 0 : i32
        %dma_start3A_682 = tpu.memref_slice %arg5[%sub3A_318, %dma_start3A_681] : memref<128x50xi32, #tpu.memory_space<vmem>> -> memref<1x50xi32, #tpu.memory_space<vmem>>
        %dma_start3A_683 = tpu.memref_squeeze %dma_start3A_682 : memref<1x50xi32, #tpu.memory_space<vmem>> -> memref<50xi32, #tpu.memory_space<vmem>>
        %dma_start3A_684 = arith.constant 0 : i32
        %dma_start3A_685 = arith.constant 0 : i32
        %dma_start3A_686 = tpu.memref_slice %arg2[%dma_start3A_684, %dma_start3A_685] : memref<100000x128xf32, #tpu.memory_space<hbm>> -> memref<100000x128xf32, #tpu.memory_space<hbm>>
        %dma_start3A_687 = tpu.memref_slice %arg7[%dma_start3A_676] : memref<8x!tpu.dma_semaphore, #tpu.memory_space<semaphore_mem>> -> memref<1x!tpu.dma_semaphore, #tpu.memory_space<semaphore_mem>>
        %dma_start3A_688 = tpu.memref_squeeze %dma_start3A_687 : memref<1x!tpu.dma_semaphore, #tpu.memory_space<semaphore_mem>> -> memref<!tpu.dma_semaphore, #tpu.memory_space<semaphore_mem>>
        tpu.enqueue_indirect_dma source(%dma_start3A_686 : memref<100000x128xf32, #tpu.memory_space<hbm>>) target(%dma_start3A_680 : memref<50x128xf32, #tpu.memory_space<vmem>>) offsets(%dma_start3A_683 : memref<50xi32, #tpu.memory_space<vmem>>) semaphore(%dma_start3A_688 : memref<!tpu.dma_semaphore, #tpu.memory_space<semaphore_mem>>)
      } else {
      }
      %add3A_321 = arith.constant 1 : i32
      %add3A_322 = arith.addi %add3A_274, %add3A_321 : i32
      %dma_wait3A_323 = arith.constant 1 : i32
      %dma_wait3A_324 = arith.constant 1 : i32
      %dma_wait3A_325 = arith.constant 0 : i32
      %dma_wait3A_326 = arith.constant 0 : i32
      %dma_wait3A_327 = tpu.memref_slice %arg6[%dma_wait3A_323, %dma_wait3A_325, %dma_wait3A_326] : memref<8x50x128xf32, #tpu.memory_space<vmem>> -> memref<1x50x128xf32, #tpu.memory_space<vmem>>
      %dma_wait3A_328 = tpu.memref_squeeze %dma_wait3A_327 : memref<1x50x128xf32, #tpu.memory_space<vmem>> -> memref<50x128xf32, #tpu.memory_space<vmem>>
      %dma_wait3A_329 = arith.constant 0 : i32
      %dma_wait3A_330 = tpu.memref_slice %arg5[%add3A_322, %dma_wait3A_329] : memref<128x50xi32, #tpu.memory_space<vmem>> -> memref<1x50xi32, #tpu.memory_space<vmem>>
      %dma_wait3A_331 = tpu.memref_squeeze %dma_wait3A_330 : memref<1x50xi32, #tpu.memory_space<vmem>> -> memref<50xi32, #tpu.memory_space<vmem>>
      %dma_wait3A_332 = arith.constant 0 : i32
      %dma_wait3A_333 = arith.constant 0 : i32
      %dma_wait3A_334 = tpu.memref_slice %arg2[%dma_wait3A_332, %dma_wait3A_333] : memref<100000x128xf32, #tpu.memory_space<hbm>> -> memref<100000x128xf32, #tpu.memory_space<hbm>>
      %dma_wait3A_335 = tpu.memref_slice %arg7[%dma_wait3A_324] : memref<8x!tpu.dma_semaphore, #tpu.memory_space<semaphore_mem>> -> memref<1x!tpu.dma_semaphore, #tpu.memory_space<semaphore_mem>>
      %dma_wait3A_336 = tpu.memref_squeeze %dma_wait3A_335 : memref<1x!tpu.dma_semaphore, #tpu.memory_space<semaphore_mem>> -> memref<!tpu.dma_semaphore, #tpu.memory_space<semaphore_mem>>
      tpu.wait_indirect_dma semaphore(%dma_wait3A_336 : memref<!tpu.dma_semaphore, #tpu.memory_space<semaphore_mem>>) src(%dma_wait3A_334 : memref<100000x128xf32, #tpu.memory_space<hbm>>) dst(%dma_wait3A_328 : memref<50x128xf32, #tpu.memory_space<vmem>>)
      %mul3A_337 = arith.constant 1 : i32
      %mul3A_338 = arith.muli %add3A_322, %mul3A_337 : i32
      %add3A_339 = arith.addi %mul3A_2, %mul3A_338 : i32
      %add3A_340 = arith.constant 0 : i32
      %add3A_341 = arith.addi %add3A_339, %add3A_340 : i32
      %dma_start3A_342 = arith.constant 1 : i32
      %dma_start3A_343 = arith.constant 1 : i32
      %dma_start3A_344 = arith.constant 0 : i32
      %dma_start3A_345 = arith.constant 0 : i32
      %dma_start3A_346 = tpu.memref_slice %arg6[%dma_start3A_342, %dma_start3A_344, %dma_start3A_345] : memref<8x50x128xf32, #tpu.memory_space<vmem>> -> memref<1x50x128xf32, #tpu.memory_space<vmem>>
      %dma_start3A_347 = tpu.memref_squeeze %dma_start3A_346 : memref<1x50x128xf32, #tpu.memory_space<vmem>> -> memref<50x128xf32, #tpu.memory_space<vmem>>
      %dma_start3A_348 = arith.constant 0 : i32
      %dma_start3A_349 = arith.constant 0 : i32
      %dma_start3A_350 = tpu.memref_slice %arg4[%add3A_341, %dma_start3A_348, %dma_start3A_349] : memref<4096x50x128xf32, #tpu.memory_space<hbm>> -> memref<1x50x128xf32, #tpu.memory_space<hbm>>
      %dma_start3A_351 = tpu.memref_squeeze %dma_start3A_350 : memref<1x50x128xf32, #tpu.memory_space<hbm>> -> memref<50x128xf32, #tpu.memory_space<hbm>>
      %dma_start3A_352 = tpu.memref_slice %arg8[%dma_start3A_343] : memref<8x!tpu.dma_semaphore, #tpu.memory_space<semaphore_mem>> -> memref<1x!tpu.dma_semaphore, #tpu.memory_space<semaphore_mem>>
      %dma_start3A_353 = tpu.memref_squeeze %dma_start3A_352 : memref<1x!tpu.dma_semaphore, #tpu.memory_space<semaphore_mem>> -> memref<!tpu.dma_semaphore, #tpu.memory_space<semaphore_mem>>
      %dma_start3A_354 = arith.constant 0 : i32
      %dma_start3A_355 = arith.constant 0 : i32
      %dma_start3A_356 = tpu.memref_slice %arg4[%add3A_341, %dma_start3A_354, %dma_start3A_355] : memref<4096x50x128xf32, #tpu.memory_space<hbm>> -> memref<1x50x128xf32, #tpu.memory_space<hbm>>
      %dma_start3A_357 = tpu.memref_squeeze %dma_start3A_356 : memref<1x50x128xf32, #tpu.memory_space<hbm>> -> memref<50x128xf32, #tpu.memory_space<hbm>>
      %dma_start3A_358 = arith.constant 0 : i32
      %dma_start3A_359 = arith.constant 0 : i32
      %dma_start3A_360 = tpu.memref_slice %arg6[%dma_start3A_342, %dma_start3A_358, %dma_start3A_359] : memref<8x50x128xf32, #tpu.memory_space<vmem>> -> memref<1x50x128xf32, #tpu.memory_space<vmem>>
      %dma_start3A_361 = tpu.memref_squeeze %dma_start3A_360 : memref<1x50x128xf32, #tpu.memory_space<vmem>> -> memref<50x128xf32, #tpu.memory_space<vmem>>
      tpu.enqueue_dma source(%dma_start3A_361 : memref<50x128xf32, #tpu.memory_space<vmem>>) target(%dma_start3A_357 : memref<50x128xf32, #tpu.memory_space<hbm>>) target_semaphore(%dma_start3A_353 : memref<!tpu.dma_semaphore, #tpu.memory_space<semaphore_mem>>)
      %add3A_362 = arith.constant 8 : i32
      %add3A_363 = arith.addi %add3A_322, %add3A_362 : i32
      %sub3A_364 = arith.constant 1 : i32
      %sub3A_365 = arith.subi %add3A_363, %sub3A_364 : i32
      %lt3A_366 = arith.constant 128 : i32
      %lt3A_367 = arith.cmpi slt, %sub3A_365, %lt3A_366 : i32
      %convert_element_type3A_368 = arith.extui %lt3A_367 : i1 to i32
      %cond3A_369 = arith.constant 0 : i32
      %cond3A_370 = arith.cmpi ne, %convert_element_type3A_368, %cond3A_369 : i32
      scf.if %cond3A_370 {
        %ge3A = arith.constant 1 : i32
        %ge3A_671 = arith.cmpi sge, %add3A_322, %ge3A : i32
        %convert_element_type3A_672 = arith.extui %ge3A_671 : i1 to i32
        %cond3A_673 = arith.constant 0 : i32
        %cond3A_674 = arith.cmpi ne, %convert_element_type3A_672, %cond3A_673 : i32
        scf.if %cond3A_674 {
          %dma_wait3A_689 = arith.constant 0 : i32
          %dma_wait3A_690 = arith.constant 0 : i32
          %dma_wait3A_691 = arith.constant 0 : i32
          %dma_wait3A_692 = arith.constant 0 : i32
          %dma_wait3A_693 = tpu.memref_slice %arg6[%dma_wait3A_689, %dma_wait3A_691, %dma_wait3A_692] : memref<8x50x128xf32, #tpu.memory_space<vmem>> -> memref<1x50x128xf32, #tpu.memory_space<vmem>>
          %dma_wait3A_694 = tpu.memref_squeeze %dma_wait3A_693 : memref<1x50x128xf32, #tpu.memory_space<vmem>> -> memref<50x128xf32, #tpu.memory_space<vmem>>
          %dma_wait3A_695 = arith.constant 0 : i32
          %dma_wait3A_696 = arith.constant 0 : i32
          %dma_wait3A_697 = tpu.memref_slice %arg4[%mul3A_2, %dma_wait3A_695, %dma_wait3A_696] : memref<4096x50x128xf32, #tpu.memory_space<hbm>> -> memref<1x50x128xf32, #tpu.memory_space<hbm>>
          %dma_wait3A_698 = tpu.memref_squeeze %dma_wait3A_697 : memref<1x50x128xf32, #tpu.memory_space<hbm>> -> memref<50x128xf32, #tpu.memory_space<hbm>>
          %dma_wait3A_699 = tpu.memref_slice %arg8[%dma_wait3A_690] : memref<8x!tpu.dma_semaphore, #tpu.memory_space<semaphore_mem>> -> memref<1x!tpu.dma_semaphore, #tpu.memory_space<semaphore_mem>>
          %dma_wait3A_700 = tpu.memref_squeeze %dma_wait3A_699 : memref<1x!tpu.dma_semaphore, #tpu.memory_space<semaphore_mem>> -> memref<!tpu.dma_semaphore, #tpu.memory_space<semaphore_mem>>
          %dma_wait3A_701 = arith.constant 0 : i32
          %dma_wait3A_702 = arith.constant 0 : i32
          %dma_wait3A_703 = tpu.memref_slice %arg4[%mul3A_2, %dma_wait3A_701, %dma_wait3A_702] : memref<4096x50x128xf32, #tpu.memory_space<hbm>> -> memref<1x50x128xf32, #tpu.memory_space<hbm>>
          %dma_wait3A_704 = tpu.memref_squeeze %dma_wait3A_703 : memref<1x50x128xf32, #tpu.memory_space<hbm>> -> memref<50x128xf32, #tpu.memory_space<hbm>>
          %dma_wait3A_705 = arith.constant 0 : i32
          %dma_wait3A_706 = arith.constant 0 : i32
          %dma_wait3A_707 = tpu.memref_slice %arg6[%dma_wait3A_689, %dma_wait3A_705, %dma_wait3A_706] : memref<8x50x128xf32, #tpu.memory_space<vmem>> -> memref<1x50x128xf32, #tpu.memory_space<vmem>>
          %dma_wait3A_708 = tpu.memref_squeeze %dma_wait3A_707 : memref<1x50x128xf32, #tpu.memory_space<vmem>> -> memref<50x128xf32, #tpu.memory_space<vmem>>
          tpu.wait_dma2 semaphore(%dma_wait3A_700 : memref<!tpu.dma_semaphore, #tpu.memory_space<semaphore_mem>>) src(%dma_wait3A_708 : memref<50x128xf32, #tpu.memory_space<vmem>>) dst(%dma_wait3A_704 : memref<50x128xf32, #tpu.memory_space<hbm>>)
        } else {
        }
        %dma_start3A_675 = arith.constant 0 : i32
        %dma_start3A_676 = arith.constant 0 : i32
        %dma_start3A_677 = arith.constant 0 : i32
        %dma_start3A_678 = arith.constant 0 : i32
        %dma_start3A_679 = tpu.memref_slice %arg6[%dma_start3A_675, %dma_start3A_677, %dma_start3A_678] : memref<8x50x128xf32, #tpu.memory_space<vmem>> -> memref<1x50x128xf32, #tpu.memory_space<vmem>>
        %dma_start3A_680 = tpu.memref_squeeze %dma_start3A_679 : memref<1x50x128xf32, #tpu.memory_space<vmem>> -> memref<50x128xf32, #tpu.memory_space<vmem>>
        %dma_start3A_681 = arith.constant 0 : i32
        %dma_start3A_682 = tpu.memref_slice %arg5[%sub3A_365, %dma_start3A_681] : memref<128x50xi32, #tpu.memory_space<vmem>> -> memref<1x50xi32, #tpu.memory_space<vmem>>
        %dma_start3A_683 = tpu.memref_squeeze %dma_start3A_682 : memref<1x50xi32, #tpu.memory_space<vmem>> -> memref<50xi32, #tpu.memory_space<vmem>>
        %dma_start3A_684 = arith.constant 0 : i32
        %dma_start3A_685 = arith.constant 0 : i32
        %dma_start3A_686 = tpu.memref_slice %arg2[%dma_start3A_684, %dma_start3A_685] : memref<100000x128xf32, #tpu.memory_space<hbm>> -> memref<100000x128xf32, #tpu.memory_space<hbm>>
        %dma_start3A_687 = tpu.memref_slice %arg7[%dma_start3A_676] : memref<8x!tpu.dma_semaphore, #tpu.memory_space<semaphore_mem>> -> memref<1x!tpu.dma_semaphore, #tpu.memory_space<semaphore_mem>>
        %dma_start3A_688 = tpu.memref_squeeze %dma_start3A_687 : memref<1x!tpu.dma_semaphore, #tpu.memory_space<semaphore_mem>> -> memref<!tpu.dma_semaphore, #tpu.memory_space<semaphore_mem>>
        tpu.enqueue_indirect_dma source(%dma_start3A_686 : memref<100000x128xf32, #tpu.memory_space<hbm>>) target(%dma_start3A_680 : memref<50x128xf32, #tpu.memory_space<vmem>>) offsets(%dma_start3A_683 : memref<50xi32, #tpu.memory_space<vmem>>) semaphore(%dma_start3A_688 : memref<!tpu.dma_semaphore, #tpu.memory_space<semaphore_mem>>)
      } else {
      }
      %add3A_371 = arith.constant 2 : i32
      %add3A_372 = arith.addi %add3A_274, %add3A_371 : i32
      %dma_wait3A_373 = arith.constant 2 : i32
      %dma_wait3A_374 = arith.constant 2 : i32
      %dma_wait3A_375 = arith.constant 0 : i32
      %dma_wait3A_376 = arith.constant 0 : i32
      %dma_wait3A_377 = tpu.memref_slice %arg6[%dma_wait3A_373, %dma_wait3A_375, %dma_wait3A_376] : memref<8x50x128xf32, #tpu.memory_space<vmem>> -> memref<1x50x128xf32, #tpu.memory_space<vmem>>
      %dma_wait3A_378 = tpu.memref_squeeze %dma_wait3A_377 : memref<1x50x128xf32, #tpu.memory_space<vmem>> -> memref<50x128xf32, #tpu.memory_space<vmem>>
      %dma_wait3A_379 = arith.constant 0 : i32
      %dma_wait3A_380 = tpu.memref_slice %arg5[%add3A_372, %dma_wait3A_379] : memref<128x50xi32, #tpu.memory_space<vmem>> -> memref<1x50xi32, #tpu.memory_space<vmem>>
      %dma_wait3A_381 = tpu.memref_squeeze %dma_wait3A_380 : memref<1x50xi32, #tpu.memory_space<vmem>> -> memref<50xi32, #tpu.memory_space<vmem>>
      %dma_wait3A_382 = arith.constant 0 : i32
      %dma_wait3A_383 = arith.constant 0 : i32
      %dma_wait3A_384 = tpu.memref_slice %arg2[%dma_wait3A_382, %dma_wait3A_383] : memref<100000x128xf32, #tpu.memory_space<hbm>> -> memref<100000x128xf32, #tpu.memory_space<hbm>>
      %dma_wait3A_385 = tpu.memref_slice %arg7[%dma_wait3A_374] : memref<8x!tpu.dma_semaphore, #tpu.memory_space<semaphore_mem>> -> memref<1x!tpu.dma_semaphore, #tpu.memory_space<semaphore_mem>>
      %dma_wait3A_386 = tpu.memref_squeeze %dma_wait3A_385 : memref<1x!tpu.dma_semaphore, #tpu.memory_space<semaphore_mem>> -> memref<!tpu.dma_semaphore, #tpu.memory_space<semaphore_mem>>
      tpu.wait_indirect_dma semaphore(%dma_wait3A_386 : memref<!tpu.dma_semaphore, #tpu.memory_space<semaphore_mem>>) src(%dma_wait3A_384 : memref<100000x128xf32, #tpu.memory_space<hbm>>) dst(%dma_wait3A_378 : memref<50x128xf32, #tpu.memory_space<vmem>>)
      %mul3A_387 = arith.constant 1 : i32
      %mul3A_388 = arith.muli %add3A_372, %mul3A_387 : i32
      %add3A_389 = arith.addi %mul3A_2, %mul3A_388 : i32
      %add3A_390 = arith.constant 0 : i32
      %add3A_391 = arith.addi %add3A_389, %add3A_390 : i32
      %dma_start3A_392 = arith.constant 2 : i32
      %dma_start3A_393 = arith.constant 2 : i32
      %dma_start3A_394 = arith.constant 0 : i32
      %dma_start3A_395 = arith.constant 0 : i32
      %dma_start3A_396 = tpu.memref_slice %arg6[%dma_start3A_392, %dma_start3A_394, %dma_start3A_395] : memref<8x50x128xf32, #tpu.memory_space<vmem>> -> memref<1x50x128xf32, #tpu.memory_space<vmem>>
      %dma_start3A_397 = tpu.memref_squeeze %dma_start3A_396 : memref<1x50x128xf32, #tpu.memory_space<vmem>> -> memref<50x128xf32, #tpu.memory_space<vmem>>
      %dma_start3A_398 = arith.constant 0 : i32
      %dma_start3A_399 = arith.constant 0 : i32
      %dma_start3A_400 = tpu.memref_slice %arg4[%add3A_391, %dma_start3A_398, %dma_start3A_399] : memref<4096x50x128xf32, #tpu.memory_space<hbm>> -> memref<1x50x128xf32, #tpu.memory_space<hbm>>
      %dma_start3A_401 = tpu.memref_squeeze %dma_start3A_400 : memref<1x50x128xf32, #tpu.memory_space<hbm>> -> memref<50x128xf32, #tpu.memory_space<hbm>>
      %dma_start3A_402 = tpu.memref_slice %arg8[%dma_start3A_393] : memref<8x!tpu.dma_semaphore, #tpu.memory_space<semaphore_mem>> -> memref<1x!tpu.dma_semaphore, #tpu.memory_space<semaphore_mem>>
      %dma_start3A_403 = tpu.memref_squeeze %dma_start3A_402 : memref<1x!tpu.dma_semaphore, #tpu.memory_space<semaphore_mem>> -> memref<!tpu.dma_semaphore, #tpu.memory_space<semaphore_mem>>
      %dma_start3A_404 = arith.constant 0 : i32
      %dma_start3A_405 = arith.constant 0 : i32
      %dma_start3A_406 = tpu.memref_slice %arg4[%add3A_391, %dma_start3A_404, %dma_start3A_405] : memref<4096x50x128xf32, #tpu.memory_space<hbm>> -> memref<1x50x128xf32, #tpu.memory_space<hbm>>
      %dma_start3A_407 = tpu.memref_squeeze %dma_start3A_406 : memref<1x50x128xf32, #tpu.memory_space<hbm>> -> memref<50x128xf32, #tpu.memory_space<hbm>>
      %dma_start3A_408 = arith.constant 0 : i32
      %dma_start3A_409 = arith.constant 0 : i32
      %dma_start3A_410 = tpu.memref_slice %arg6[%dma_start3A_392, %dma_start3A_408, %dma_start3A_409] : memref<8x50x128xf32, #tpu.memory_space<vmem>> -> memref<1x50x128xf32, #tpu.memory_space<vmem>>
      %dma_start3A_411 = tpu.memref_squeeze %dma_start3A_410 : memref<1x50x128xf32, #tpu.memory_space<vmem>> -> memref<50x128xf32, #tpu.memory_space<vmem>>
      tpu.enqueue_dma source(%dma_start3A_411 : memref<50x128xf32, #tpu.memory_space<vmem>>) target(%dma_start3A_407 : memref<50x128xf32, #tpu.memory_space<hbm>>) target_semaphore(%dma_start3A_403 : memref<!tpu.dma_semaphore, #tpu.memory_space<semaphore_mem>>)
      %add3A_412 = arith.constant 8 : i32
      %add3A_413 = arith.addi %add3A_372, %add3A_412 : i32
      %sub3A_414 = arith.constant 1 : i32
      %sub3A_415 = arith.subi %add3A_413, %sub3A_414 : i32
      %lt3A_416 = arith.constant 128 : i32
      %lt3A_417 = arith.cmpi slt, %sub3A_415, %lt3A_416 : i32
      %convert_element_type3A_418 = arith.extui %lt3A_417 : i1 to i32
      %cond3A_419 = arith.constant 0 : i32
      %cond3A_420 = arith.cmpi ne, %convert_element_type3A_418, %cond3A_419 : i32
      scf.if %cond3A_420 {
        %ge3A = arith.constant 1 : i32
        %ge3A_671 = arith.cmpi sge, %add3A_372, %ge3A : i32
        %convert_element_type3A_672 = arith.extui %ge3A_671 : i1 to i32
        %cond3A_673 = arith.constant 0 : i32
        %cond3A_674 = arith.cmpi ne, %convert_element_type3A_672, %cond3A_673 : i32
        scf.if %cond3A_674 {
          %dma_wait3A_689 = arith.constant 1 : i32
          %dma_wait3A_690 = arith.constant 1 : i32
          %dma_wait3A_691 = arith.constant 0 : i32
          %dma_wait3A_692 = arith.constant 0 : i32
          %dma_wait3A_693 = tpu.memref_slice %arg6[%dma_wait3A_689, %dma_wait3A_691, %dma_wait3A_692] : memref<8x50x128xf32, #tpu.memory_space<vmem>> -> memref<1x50x128xf32, #tpu.memory_space<vmem>>
          %dma_wait3A_694 = tpu.memref_squeeze %dma_wait3A_693 : memref<1x50x128xf32, #tpu.memory_space<vmem>> -> memref<50x128xf32, #tpu.memory_space<vmem>>
          %dma_wait3A_695 = arith.constant 0 : i32
          %dma_wait3A_696 = arith.constant 0 : i32
          %dma_wait3A_697 = tpu.memref_slice %arg4[%mul3A_2, %dma_wait3A_695, %dma_wait3A_696] : memref<4096x50x128xf32, #tpu.memory_space<hbm>> -> memref<1x50x128xf32, #tpu.memory_space<hbm>>
          %dma_wait3A_698 = tpu.memref_squeeze %dma_wait3A_697 : memref<1x50x128xf32, #tpu.memory_space<hbm>> -> memref<50x128xf32, #tpu.memory_space<hbm>>
          %dma_wait3A_699 = tpu.memref_slice %arg8[%dma_wait3A_690] : memref<8x!tpu.dma_semaphore, #tpu.memory_space<semaphore_mem>> -> memref<1x!tpu.dma_semaphore, #tpu.memory_space<semaphore_mem>>
          %dma_wait3A_700 = tpu.memref_squeeze %dma_wait3A_699 : memref<1x!tpu.dma_semaphore, #tpu.memory_space<semaphore_mem>> -> memref<!tpu.dma_semaphore, #tpu.memory_space<semaphore_mem>>
          %dma_wait3A_701 = arith.constant 0 : i32
          %dma_wait3A_702 = arith.constant 0 : i32
          %dma_wait3A_703 = tpu.memref_slice %arg4[%mul3A_2, %dma_wait3A_701, %dma_wait3A_702] : memref<4096x50x128xf32, #tpu.memory_space<hbm>> -> memref<1x50x128xf32, #tpu.memory_space<hbm>>
          %dma_wait3A_704 = tpu.memref_squeeze %dma_wait3A_703 : memref<1x50x128xf32, #tpu.memory_space<hbm>> -> memref<50x128xf32, #tpu.memory_space<hbm>>
          %dma_wait3A_705 = arith.constant 0 : i32
          %dma_wait3A_706 = arith.constant 0 : i32
          %dma_wait3A_707 = tpu.memref_slice %arg6[%dma_wait3A_689, %dma_wait3A_705, %dma_wait3A_706] : memref<8x50x128xf32, #tpu.memory_space<vmem>> -> memref<1x50x128xf32, #tpu.memory_space<vmem>>
          %dma_wait3A_708 = tpu.memref_squeeze %dma_wait3A_707 : memref<1x50x128xf32, #tpu.memory_space<vmem>> -> memref<50x128xf32, #tpu.memory_space<vmem>>
          tpu.wait_dma2 semaphore(%dma_wait3A_700 : memref<!tpu.dma_semaphore, #tpu.memory_space<semaphore_mem>>) src(%dma_wait3A_708 : memref<50x128xf32, #tpu.memory_space<vmem>>) dst(%dma_wait3A_704 : memref<50x128xf32, #tpu.memory_space<hbm>>)
        } else {
        }
        %dma_start3A_675 = arith.constant 1 : i32
        %dma_start3A_676 = arith.constant 1 : i32
        %dma_start3A_677 = arith.constant 0 : i32
        %dma_start3A_678 = arith.constant 0 : i32
        %dma_start3A_679 = tpu.memref_slice %arg6[%dma_start3A_675, %dma_start3A_677, %dma_start3A_678] : memref<8x50x128xf32, #tpu.memory_space<vmem>> -> memref<1x50x128xf32, #tpu.memory_space<vmem>>
        %dma_start3A_680 = tpu.memref_squeeze %dma_start3A_679 : memref<1x50x128xf32, #tpu.memory_space<vmem>> -> memref<50x128xf32, #tpu.memory_space<vmem>>
        %dma_start3A_681 = arith.constant 0 : i32
        %dma_start3A_682 = tpu.memref_slice %arg5[%sub3A_415, %dma_start3A_681] : memref<128x50xi32, #tpu.memory_space<vmem>> -> memref<1x50xi32, #tpu.memory_space<vmem>>
        %dma_start3A_683 = tpu.memref_squeeze %dma_start3A_682 : memref<1x50xi32, #tpu.memory_space<vmem>> -> memref<50xi32, #tpu.memory_space<vmem>>
        %dma_start3A_684 = arith.constant 0 : i32
        %dma_start3A_685 = arith.constant 0 : i32
        %dma_start3A_686 = tpu.memref_slice %arg2[%dma_start3A_684, %dma_start3A_685] : memref<100000x128xf32, #tpu.memory_space<hbm>> -> memref<100000x128xf32, #tpu.memory_space<hbm>>
        %dma_start3A_687 = tpu.memref_slice %arg7[%dma_start3A_676] : memref<8x!tpu.dma_semaphore, #tpu.memory_space<semaphore_mem>> -> memref<1x!tpu.dma_semaphore, #tpu.memory_space<semaphore_mem>>
        %dma_start3A_688 = tpu.memref_squeeze %dma_start3A_687 : memref<1x!tpu.dma_semaphore, #tpu.memory_space<semaphore_mem>> -> memref<!tpu.dma_semaphore, #tpu.memory_space<semaphore_mem>>
        tpu.enqueue_indirect_dma source(%dma_start3A_686 : memref<100000x128xf32, #tpu.memory_space<hbm>>) target(%dma_start3A_680 : memref<50x128xf32, #tpu.memory_space<vmem>>) offsets(%dma_start3A_683 : memref<50xi32, #tpu.memory_space<vmem>>) semaphore(%dma_start3A_688 : memref<!tpu.dma_semaphore, #tpu.memory_space<semaphore_mem>>)
      } else {
      }
      %add3A_421 = arith.constant 3 : i32
      %add3A_422 = arith.addi %add3A_274, %add3A_421 : i32
      %dma_wait3A_423 = arith.constant 3 : i32
      %dma_wait3A_424 = arith.constant 3 : i32
      %dma_wait3A_425 = arith.constant 0 : i32
      %dma_wait3A_426 = arith.constant 0 : i32
      %dma_wait3A_427 = tpu.memref_slice %arg6[%dma_wait3A_423, %dma_wait3A_425, %dma_wait3A_426] : memref<8x50x128xf32, #tpu.memory_space<vmem>> -> memref<1x50x128xf32, #tpu.memory_space<vmem>>
      %dma_wait3A_428 = tpu.memref_squeeze %dma_wait3A_427 : memref<1x50x128xf32, #tpu.memory_space<vmem>> -> memref<50x128xf32, #tpu.memory_space<vmem>>
      %dma_wait3A_429 = arith.constant 0 : i32
      %dma_wait3A_430 = tpu.memref_slice %arg5[%add3A_422, %dma_wait3A_429] : memref<128x50xi32, #tpu.memory_space<vmem>> -> memref<1x50xi32, #tpu.memory_space<vmem>>
      %dma_wait3A_431 = tpu.memref_squeeze %dma_wait3A_430 : memref<1x50xi32, #tpu.memory_space<vmem>> -> memref<50xi32, #tpu.memory_space<vmem>>
      %dma_wait3A_432 = arith.constant 0 : i32
      %dma_wait3A_433 = arith.constant 0 : i32
      %dma_wait3A_434 = tpu.memref_slice %arg2[%dma_wait3A_432, %dma_wait3A_433] : memref<100000x128xf32, #tpu.memory_space<hbm>> -> memref<100000x128xf32, #tpu.memory_space<hbm>>
      %dma_wait3A_435 = tpu.memref_slice %arg7[%dma_wait3A_424] : memref<8x!tpu.dma_semaphore, #tpu.memory_space<semaphore_mem>> -> memref<1x!tpu.dma_semaphore, #tpu.memory_space<semaphore_mem>>
      %dma_wait3A_436 = tpu.memref_squeeze %dma_wait3A_435 : memref<1x!tpu.dma_semaphore, #tpu.memory_space<semaphore_mem>> -> memref<!tpu.dma_semaphore, #tpu.memory_space<semaphore_mem>>
      tpu.wait_indirect_dma semaphore(%dma_wait3A_436 : memref<!tpu.dma_semaphore, #tpu.memory_space<semaphore_mem>>) src(%dma_wait3A_434 : memref<100000x128xf32, #tpu.memory_space<hbm>>) dst(%dma_wait3A_428 : memref<50x128xf32, #tpu.memory_space<vmem>>)
      %mul3A_437 = arith.constant 1 : i32
      %mul3A_438 = arith.muli %add3A_422, %mul3A_437 : i32
      %add3A_439 = arith.addi %mul3A_2, %mul3A_438 : i32
      %add3A_440 = arith.constant 0 : i32
      %add3A_441 = arith.addi %add3A_439, %add3A_440 : i32
      %dma_start3A_442 = arith.constant 3 : i32
      %dma_start3A_443 = arith.constant 3 : i32
      %dma_start3A_444 = arith.constant 0 : i32
      %dma_start3A_445 = arith.constant 0 : i32
      %dma_start3A_446 = tpu.memref_slice %arg6[%dma_start3A_442, %dma_start3A_444, %dma_start3A_445] : memref<8x50x128xf32, #tpu.memory_space<vmem>> -> memref<1x50x128xf32, #tpu.memory_space<vmem>>
      %dma_start3A_447 = tpu.memref_squeeze %dma_start3A_446 : memref<1x50x128xf32, #tpu.memory_space<vmem>> -> memref<50x128xf32, #tpu.memory_space<vmem>>
      %dma_start3A_448 = arith.constant 0 : i32
      %dma_start3A_449 = arith.constant 0 : i32
      %dma_start3A_450 = tpu.memref_slice %arg4[%add3A_441, %dma_start3A_448, %dma_start3A_449] : memref<4096x50x128xf32, #tpu.memory_space<hbm>> -> memref<1x50x128xf32, #tpu.memory_space<hbm>>
      %dma_start3A_451 = tpu.memref_squeeze %dma_start3A_450 : memref<1x50x128xf32, #tpu.memory_space<hbm>> -> memref<50x128xf32, #tpu.memory_space<hbm>>
      %dma_start3A_452 = tpu.memref_slice %arg8[%dma_start3A_443] : memref<8x!tpu.dma_semaphore, #tpu.memory_space<semaphore_mem>> -> memref<1x!tpu.dma_semaphore, #tpu.memory_space<semaphore_mem>>
      %dma_start3A_453 = tpu.memref_squeeze %dma_start3A_452 : memref<1x!tpu.dma_semaphore, #tpu.memory_space<semaphore_mem>> -> memref<!tpu.dma_semaphore, #tpu.memory_space<semaphore_mem>>
      %dma_start3A_454 = arith.constant 0 : i32
      %dma_start3A_455 = arith.constant 0 : i32
      %dma_start3A_456 = tpu.memref_slice %arg4[%add3A_441, %dma_start3A_454, %dma_start3A_455] : memref<4096x50x128xf32, #tpu.memory_space<hbm>> -> memref<1x50x128xf32, #tpu.memory_space<hbm>>
      %dma_start3A_457 = tpu.memref_squeeze %dma_start3A_456 : memref<1x50x128xf32, #tpu.memory_space<hbm>> -> memref<50x128xf32, #tpu.memory_space<hbm>>
      %dma_start3A_458 = arith.constant 0 : i32
      %dma_start3A_459 = arith.constant 0 : i32
      %dma_start3A_460 = tpu.memref_slice %arg6[%dma_start3A_442, %dma_start3A_458, %dma_start3A_459] : memref<8x50x128xf32, #tpu.memory_space<vmem>> -> memref<1x50x128xf32, #tpu.memory_space<vmem>>
      %dma_start3A_461 = tpu.memref_squeeze %dma_start3A_460 : memref<1x50x128xf32, #tpu.memory_space<vmem>> -> memref<50x128xf32, #tpu.memory_space<vmem>>
      tpu.enqueue_dma source(%dma_start3A_461 : memref<50x128xf32, #tpu.memory_space<vmem>>) target(%dma_start3A_457 : memref<50x128xf32, #tpu.memory_space<hbm>>) target_semaphore(%dma_start3A_453 : memref<!tpu.dma_semaphore, #tpu.memory_space<semaphore_mem>>)
      %add3A_462 = arith.constant 8 : i32
      %add3A_463 = arith.addi %add3A_422, %add3A_462 : i32
      %sub3A_464 = arith.constant 1 : i32
      %sub3A_465 = arith.subi %add3A_463, %sub3A_464 : i32
      %lt3A_466 = arith.constant 128 : i32
      %lt3A_467 = arith.cmpi slt, %sub3A_465, %lt3A_466 : i32
      %convert_element_type3A_468 = arith.extui %lt3A_467 : i1 to i32
      %cond3A_469 = arith.constant 0 : i32
      %cond3A_470 = arith.cmpi ne, %convert_element_type3A_468, %cond3A_469 : i32
      scf.if %cond3A_470 {
        %ge3A = arith.constant 1 : i32
        %ge3A_671 = arith.cmpi sge, %add3A_422, %ge3A : i32
        %convert_element_type3A_672 = arith.extui %ge3A_671 : i1 to i32
        %cond3A_673 = arith.constant 0 : i32
        %cond3A_674 = arith.cmpi ne, %convert_element_type3A_672, %cond3A_673 : i32
        scf.if %cond3A_674 {
          %dma_wait3A_689 = arith.constant 2 : i32
          %dma_wait3A_690 = arith.constant 2 : i32
          %dma_wait3A_691 = arith.constant 0 : i32
          %dma_wait3A_692 = arith.constant 0 : i32
          %dma_wait3A_693 = tpu.memref_slice %arg6[%dma_wait3A_689, %dma_wait3A_691, %dma_wait3A_692] : memref<8x50x128xf32, #tpu.memory_space<vmem>> -> memref<1x50x128xf32, #tpu.memory_space<vmem>>
          %dma_wait3A_694 = tpu.memref_squeeze %dma_wait3A_693 : memref<1x50x128xf32, #tpu.memory_space<vmem>> -> memref<50x128xf32, #tpu.memory_space<vmem>>
          %dma_wait3A_695 = arith.constant 0 : i32
          %dma_wait3A_696 = arith.constant 0 : i32
          %dma_wait3A_697 = tpu.memref_slice %arg4[%mul3A_2, %dma_wait3A_695, %dma_wait3A_696] : memref<4096x50x128xf32, #tpu.memory_space<hbm>> -> memref<1x50x128xf32, #tpu.memory_space<hbm>>
          %dma_wait3A_698 = tpu.memref_squeeze %dma_wait3A_697 : memref<1x50x128xf32, #tpu.memory_space<hbm>> -> memref<50x128xf32, #tpu.memory_space<hbm>>
          %dma_wait3A_699 = tpu.memref_slice %arg8[%dma_wait3A_690] : memref<8x!tpu.dma_semaphore, #tpu.memory_space<semaphore_mem>> -> memref<1x!tpu.dma_semaphore, #tpu.memory_space<semaphore_mem>>
          %dma_wait3A_700 = tpu.memref_squeeze %dma_wait3A_699 : memref<1x!tpu.dma_semaphore, #tpu.memory_space<semaphore_mem>> -> memref<!tpu.dma_semaphore, #tpu.memory_space<semaphore_mem>>
          %dma_wait3A_701 = arith.constant 0 : i32
          %dma_wait3A_702 = arith.constant 0 : i32
          %dma_wait3A_703 = tpu.memref_slice %arg4[%mul3A_2, %dma_wait3A_701, %dma_wait3A_702] : memref<4096x50x128xf32, #tpu.memory_space<hbm>> -> memref<1x50x128xf32, #tpu.memory_space<hbm>>
          %dma_wait3A_704 = tpu.memref_squeeze %dma_wait3A_703 : memref<1x50x128xf32, #tpu.memory_space<hbm>> -> memref<50x128xf32, #tpu.memory_space<hbm>>
          %dma_wait3A_705 = arith.constant 0 : i32
          %dma_wait3A_706 = arith.constant 0 : i32
          %dma_wait3A_707 = tpu.memref_slice %arg6[%dma_wait3A_689, %dma_wait3A_705, %dma_wait3A_706] : memref<8x50x128xf32, #tpu.memory_space<vmem>> -> memref<1x50x128xf32, #tpu.memory_space<vmem>>
          %dma_wait3A_708 = tpu.memref_squeeze %dma_wait3A_707 : memref<1x50x128xf32, #tpu.memory_space<vmem>> -> memref<50x128xf32, #tpu.memory_space<vmem>>
          tpu.wait_dma2 semaphore(%dma_wait3A_700 : memref<!tpu.dma_semaphore, #tpu.memory_space<semaphore_mem>>) src(%dma_wait3A_708 : memref<50x128xf32, #tpu.memory_space<vmem>>) dst(%dma_wait3A_704 : memref<50x128xf32, #tpu.memory_space<hbm>>)
        } else {
        }
        %dma_start3A_675 = arith.constant 2 : i32
        %dma_start3A_676 = arith.constant 2 : i32
        %dma_start3A_677 = arith.constant 0 : i32
        %dma_start3A_678 = arith.constant 0 : i32
        %dma_start3A_679 = tpu.memref_slice %arg6[%dma_start3A_675, %dma_start3A_677, %dma_start3A_678] : memref<8x50x128xf32, #tpu.memory_space<vmem>> -> memref<1x50x128xf32, #tpu.memory_space<vmem>>
        %dma_start3A_680 = tpu.memref_squeeze %dma_start3A_679 : memref<1x50x128xf32, #tpu.memory_space<vmem>> -> memref<50x128xf32, #tpu.memory_space<vmem>>
        %dma_start3A_681 = arith.constant 0 : i32
        %dma_start3A_682 = tpu.memref_slice %arg5[%sub3A_465, %dma_start3A_681] : memref<128x50xi32, #tpu.memory_space<vmem>> -> memref<1x50xi32, #tpu.memory_space<vmem>>
        %dma_start3A_683 = tpu.memref_squeeze %dma_start3A_682 : memref<1x50xi32, #tpu.memory_space<vmem>> -> memref<50xi32, #tpu.memory_space<vmem>>
        %dma_start3A_684 = arith.constant 0 : i32
        %dma_start3A_685 = arith.constant 0 : i32
        %dma_start3A_686 = tpu.memref_slice %arg2[%dma_start3A_684, %dma_start3A_685] : memref<100000x128xf32, #tpu.memory_space<hbm>> -> memref<100000x128xf32, #tpu.memory_space<hbm>>
        %dma_start3A_687 = tpu.memref_slice %arg7[%dma_start3A_676] : memref<8x!tpu.dma_semaphore, #tpu.memory_space<semaphore_mem>> -> memref<1x!tpu.dma_semaphore, #tpu.memory_space<semaphore_mem>>
        %dma_start3A_688 = tpu.memref_squeeze %dma_start3A_687 : memref<1x!tpu.dma_semaphore, #tpu.memory_space<semaphore_mem>> -> memref<!tpu.dma_semaphore, #tpu.memory_space<semaphore_mem>>
        tpu.enqueue_indirect_dma source(%dma_start3A_686 : memref<100000x128xf32, #tpu.memory_space<hbm>>) target(%dma_start3A_680 : memref<50x128xf32, #tpu.memory_space<vmem>>) offsets(%dma_start3A_683 : memref<50xi32, #tpu.memory_space<vmem>>) semaphore(%dma_start3A_688 : memref<!tpu.dma_semaphore, #tpu.memory_space<semaphore_mem>>)
      } else {
      }
      %add3A_471 = arith.constant 4 : i32
      %add3A_472 = arith.addi %add3A_274, %add3A_471 : i32
      %dma_wait3A_473 = arith.constant 4 : i32
      %dma_wait3A_474 = arith.constant 4 : i32
      %dma_wait3A_475 = arith.constant 0 : i32
      %dma_wait3A_476 = arith.constant 0 : i32
      %dma_wait3A_477 = tpu.memref_slice %arg6[%dma_wait3A_473, %dma_wait3A_475, %dma_wait3A_476] : memref<8x50x128xf32, #tpu.memory_space<vmem>> -> memref<1x50x128xf32, #tpu.memory_space<vmem>>
      %dma_wait3A_478 = tpu.memref_squeeze %dma_wait3A_477 : memref<1x50x128xf32, #tpu.memory_space<vmem>> -> memref<50x128xf32, #tpu.memory_space<vmem>>
      %dma_wait3A_479 = arith.constant 0 : i32
      %dma_wait3A_480 = tpu.memref_slice %arg5[%add3A_472, %dma_wait3A_479] : memref<128x50xi32, #tpu.memory_space<vmem>> -> memref<1x50xi32, #tpu.memory_space<vmem>>
      %dma_wait3A_481 = tpu.memref_squeeze %dma_wait3A_480 : memref<1x50xi32, #tpu.memory_space<vmem>> -> memref<50xi32, #tpu.memory_space<vmem>>
      %dma_wait3A_482 = arith.constant 0 : i32
      %dma_wait3A_483 = arith.constant 0 : i32
      %dma_wait3A_484 = tpu.memref_slice %arg2[%dma_wait3A_482, %dma_wait3A_483] : memref<100000x128xf32, #tpu.memory_space<hbm>> -> memref<100000x128xf32, #tpu.memory_space<hbm>>
      %dma_wait3A_485 = tpu.memref_slice %arg7[%dma_wait3A_474] : memref<8x!tpu.dma_semaphore, #tpu.memory_space<semaphore_mem>> -> memref<1x!tpu.dma_semaphore, #tpu.memory_space<semaphore_mem>>
      %dma_wait3A_486 = tpu.memref_squeeze %dma_wait3A_485 : memref<1x!tpu.dma_semaphore, #tpu.memory_space<semaphore_mem>> -> memref<!tpu.dma_semaphore, #tpu.memory_space<semaphore_mem>>
      tpu.wait_indirect_dma semaphore(%dma_wait3A_486 : memref<!tpu.dma_semaphore, #tpu.memory_space<semaphore_mem>>) src(%dma_wait3A_484 : memref<100000x128xf32, #tpu.memory_space<hbm>>) dst(%dma_wait3A_478 : memref<50x128xf32, #tpu.memory_space<vmem>>)
      %mul3A_487 = arith.constant 1 : i32
      %mul3A_488 = arith.muli %add3A_472, %mul3A_487 : i32
      %add3A_489 = arith.addi %mul3A_2, %mul3A_488 : i32
      %add3A_490 = arith.constant 0 : i32
      %add3A_491 = arith.addi %add3A_489, %add3A_490 : i32
      %dma_start3A_492 = arith.constant 4 : i32
      %dma_start3A_493 = arith.constant 4 : i32
      %dma_start3A_494 = arith.constant 0 : i32
      %dma_start3A_495 = arith.constant 0 : i32
      %dma_start3A_496 = tpu.memref_slice %arg6[%dma_start3A_492, %dma_start3A_494, %dma_start3A_495] : memref<8x50x128xf32, #tpu.memory_space<vmem>> -> memref<1x50x128xf32, #tpu.memory_space<vmem>>
      %dma_start3A_497 = tpu.memref_squeeze %dma_start3A_496 : memref<1x50x128xf32, #tpu.memory_space<vmem>> -> memref<50x128xf32, #tpu.memory_space<vmem>>
      %dma_start3A_498 = arith.constant 0 : i32
      %dma_start3A_499 = arith.constant 0 : i32
      %dma_start3A_500 = tpu.memref_slice %arg4[%add3A_491, %dma_start3A_498, %dma_start3A_499] : memref<4096x50x128xf32, #tpu.memory_space<hbm>> -> memref<1x50x128xf32, #tpu.memory_space<hbm>>
      %dma_start3A_501 = tpu.memref_squeeze %dma_start3A_500 : memref<1x50x128xf32, #tpu.memory_space<hbm>> -> memref<50x128xf32, #tpu.memory_space<hbm>>
      %dma_start3A_502 = tpu.memref_slice %arg8[%dma_start3A_493] : memref<8x!tpu.dma_semaphore, #tpu.memory_space<semaphore_mem>> -> memref<1x!tpu.dma_semaphore, #tpu.memory_space<semaphore_mem>>
      %dma_start3A_503 = tpu.memref_squeeze %dma_start3A_502 : memref<1x!tpu.dma_semaphore, #tpu.memory_space<semaphore_mem>> -> memref<!tpu.dma_semaphore, #tpu.memory_space<semaphore_mem>>
      %dma_start3A_504 = arith.constant 0 : i32
      %dma_start3A_505 = arith.constant 0 : i32
      %dma_start3A_506 = tpu.memref_slice %arg4[%add3A_491, %dma_start3A_504, %dma_start3A_505] : memref<4096x50x128xf32, #tpu.memory_space<hbm>> -> memref<1x50x128xf32, #tpu.memory_space<hbm>>
      %dma_start3A_507 = tpu.memref_squeeze %dma_start3A_506 : memref<1x50x128xf32, #tpu.memory_space<hbm>> -> memref<50x128xf32, #tpu.memory_space<hbm>>
      %dma_start3A_508 = arith.constant 0 : i32
      %dma_start3A_509 = arith.constant 0 : i32
      %dma_start3A_510 = tpu.memref_slice %arg6[%dma_start3A_492, %dma_start3A_508, %dma_start3A_509] : memref<8x50x128xf32, #tpu.memory_space<vmem>> -> memref<1x50x128xf32, #tpu.memory_space<vmem>>
      %dma_start3A_511 = tpu.memref_squeeze %dma_start3A_510 : memref<1x50x128xf32, #tpu.memory_space<vmem>> -> memref<50x128xf32, #tpu.memory_space<vmem>>
      tpu.enqueue_dma source(%dma_start3A_511 : memref<50x128xf32, #tpu.memory_space<vmem>>) target(%dma_start3A_507 : memref<50x128xf32, #tpu.memory_space<hbm>>) target_semaphore(%dma_start3A_503 : memref<!tpu.dma_semaphore, #tpu.memory_space<semaphore_mem>>)
      %add3A_512 = arith.constant 8 : i32
      %add3A_513 = arith.addi %add3A_472, %add3A_512 : i32
      %sub3A_514 = arith.constant 1 : i32
      %sub3A_515 = arith.subi %add3A_513, %sub3A_514 : i32
      %lt3A_516 = arith.constant 128 : i32
      %lt3A_517 = arith.cmpi slt, %sub3A_515, %lt3A_516 : i32
      %convert_element_type3A_518 = arith.extui %lt3A_517 : i1 to i32
      %cond3A_519 = arith.constant 0 : i32
      %cond3A_520 = arith.cmpi ne, %convert_element_type3A_518, %cond3A_519 : i32
      scf.if %cond3A_520 {
        %ge3A = arith.constant 1 : i32
        %ge3A_671 = arith.cmpi sge, %add3A_472, %ge3A : i32
        %convert_element_type3A_672 = arith.extui %ge3A_671 : i1 to i32
        %cond3A_673 = arith.constant 0 : i32
        %cond3A_674 = arith.cmpi ne, %convert_element_type3A_672, %cond3A_673 : i32
        scf.if %cond3A_674 {
          %dma_wait3A_689 = arith.constant 3 : i32
          %dma_wait3A_690 = arith.constant 3 : i32
          %dma_wait3A_691 = arith.constant 0 : i32
          %dma_wait3A_692 = arith.constant 0 : i32
          %dma_wait3A_693 = tpu.memref_slice %arg6[%dma_wait3A_689, %dma_wait3A_691, %dma_wait3A_692] : memref<8x50x128xf32, #tpu.memory_space<vmem>> -> memref<1x50x128xf32, #tpu.memory_space<vmem>>
          %dma_wait3A_694 = tpu.memref_squeeze %dma_wait3A_693 : memref<1x50x128xf32, #tpu.memory_space<vmem>> -> memref<50x128xf32, #tpu.memory_space<vmem>>
          %dma_wait3A_695 = arith.constant 0 : i32
          %dma_wait3A_696 = arith.constant 0 : i32
          %dma_wait3A_697 = tpu.memref_slice %arg4[%mul3A_2, %dma_wait3A_695, %dma_wait3A_696] : memref<4096x50x128xf32, #tpu.memory_space<hbm>> -> memref<1x50x128xf32, #tpu.memory_space<hbm>>
          %dma_wait3A_698 = tpu.memref_squeeze %dma_wait3A_697 : memref<1x50x128xf32, #tpu.memory_space<hbm>> -> memref<50x128xf32, #tpu.memory_space<hbm>>
          %dma_wait3A_699 = tpu.memref_slice %arg8[%dma_wait3A_690] : memref<8x!tpu.dma_semaphore, #tpu.memory_space<semaphore_mem>> -> memref<1x!tpu.dma_semaphore, #tpu.memory_space<semaphore_mem>>
          %dma_wait3A_700 = tpu.memref_squeeze %dma_wait3A_699 : memref<1x!tpu.dma_semaphore, #tpu.memory_space<semaphore_mem>> -> memref<!tpu.dma_semaphore, #tpu.memory_space<semaphore_mem>>
          %dma_wait3A_701 = arith.constant 0 : i32
          %dma_wait3A_702 = arith.constant 0 : i32
          %dma_wait3A_703 = tpu.memref_slice %arg4[%mul3A_2, %dma_wait3A_701, %dma_wait3A_702] : memref<4096x50x128xf32, #tpu.memory_space<hbm>> -> memref<1x50x128xf32, #tpu.memory_space<hbm>>
          %dma_wait3A_704 = tpu.memref_squeeze %dma_wait3A_703 : memref<1x50x128xf32, #tpu.memory_space<hbm>> -> memref<50x128xf32, #tpu.memory_space<hbm>>
          %dma_wait3A_705 = arith.constant 0 : i32
          %dma_wait3A_706 = arith.constant 0 : i32
          %dma_wait3A_707 = tpu.memref_slice %arg6[%dma_wait3A_689, %dma_wait3A_705, %dma_wait3A_706] : memref<8x50x128xf32, #tpu.memory_space<vmem>> -> memref<1x50x128xf32, #tpu.memory_space<vmem>>
          %dma_wait3A_708 = tpu.memref_squeeze %dma_wait3A_707 : memref<1x50x128xf32, #tpu.memory_space<vmem>> -> memref<50x128xf32, #tpu.memory_space<vmem>>
          tpu.wait_dma2 semaphore(%dma_wait3A_700 : memref<!tpu.dma_semaphore, #tpu.memory_space<semaphore_mem>>) src(%dma_wait3A_708 : memref<50x128xf32, #tpu.memory_space<vmem>>) dst(%dma_wait3A_704 : memref<50x128xf32, #tpu.memory_space<hbm>>)
        } else {
        }
        %dma_start3A_675 = arith.constant 3 : i32
        %dma_start3A_676 = arith.constant 3 : i32
        %dma_start3A_677 = arith.constant 0 : i32
        %dma_start3A_678 = arith.constant 0 : i32
        %dma_start3A_679 = tpu.memref_slice %arg6[%dma_start3A_675, %dma_start3A_677, %dma_start3A_678] : memref<8x50x128xf32, #tpu.memory_space<vmem>> -> memref<1x50x128xf32, #tpu.memory_space<vmem>>
        %dma_start3A_680 = tpu.memref_squeeze %dma_start3A_679 : memref<1x50x128xf32, #tpu.memory_space<vmem>> -> memref<50x128xf32, #tpu.memory_space<vmem>>
        %dma_start3A_681 = arith.constant 0 : i32
        %dma_start3A_682 = tpu.memref_slice %arg5[%sub3A_515, %dma_start3A_681] : memref<128x50xi32, #tpu.memory_space<vmem>> -> memref<1x50xi32, #tpu.memory_space<vmem>>
        %dma_start3A_683 = tpu.memref_squeeze %dma_start3A_682 : memref<1x50xi32, #tpu.memory_space<vmem>> -> memref<50xi32, #tpu.memory_space<vmem>>
        %dma_start3A_684 = arith.constant 0 : i32
        %dma_start3A_685 = arith.constant 0 : i32
        %dma_start3A_686 = tpu.memref_slice %arg2[%dma_start3A_684, %dma_start3A_685] : memref<100000x128xf32, #tpu.memory_space<hbm>> -> memref<100000x128xf32, #tpu.memory_space<hbm>>
        %dma_start3A_687 = tpu.memref_slice %arg7[%dma_start3A_676] : memref<8x!tpu.dma_semaphore, #tpu.memory_space<semaphore_mem>> -> memref<1x!tpu.dma_semaphore, #tpu.memory_space<semaphore_mem>>
        %dma_start3A_688 = tpu.memref_squeeze %dma_start3A_687 : memref<1x!tpu.dma_semaphore, #tpu.memory_space<semaphore_mem>> -> memref<!tpu.dma_semaphore, #tpu.memory_space<semaphore_mem>>
        tpu.enqueue_indirect_dma source(%dma_start3A_686 : memref<100000x128xf32, #tpu.memory_space<hbm>>) target(%dma_start3A_680 : memref<50x128xf32, #tpu.memory_space<vmem>>) offsets(%dma_start3A_683 : memref<50xi32, #tpu.memory_space<vmem>>) semaphore(%dma_start3A_688 : memref<!tpu.dma_semaphore, #tpu.memory_space<semaphore_mem>>)
      } else {
      }
      %add3A_521 = arith.constant 5 : i32
      %add3A_522 = arith.addi %add3A_274, %add3A_521 : i32
      %dma_wait3A_523 = arith.constant 5 : i32
      %dma_wait3A_524 = arith.constant 5 : i32
      %dma_wait3A_525 = arith.constant 0 : i32
      %dma_wait3A_526 = arith.constant 0 : i32
      %dma_wait3A_527 = tpu.memref_slice %arg6[%dma_wait3A_523, %dma_wait3A_525, %dma_wait3A_526] : memref<8x50x128xf32, #tpu.memory_space<vmem>> -> memref<1x50x128xf32, #tpu.memory_space<vmem>>
      %dma_wait3A_528 = tpu.memref_squeeze %dma_wait3A_527 : memref<1x50x128xf32, #tpu.memory_space<vmem>> -> memref<50x128xf32, #tpu.memory_space<vmem>>
      %dma_wait3A_529 = arith.constant 0 : i32
      %dma_wait3A_530 = tpu.memref_slice %arg5[%add3A_522, %dma_wait3A_529] : memref<128x50xi32, #tpu.memory_space<vmem>> -> memref<1x50xi32, #tpu.memory_space<vmem>>
      %dma_wait3A_531 = tpu.memref_squeeze %dma_wait3A_530 : memref<1x50xi32, #tpu.memory_space<vmem>> -> memref<50xi32, #tpu.memory_space<vmem>>
      %dma_wait3A_532 = arith.constant 0 : i32
      %dma_wait3A_533 = arith.constant 0 : i32
      %dma_wait3A_534 = tpu.memref_slice %arg2[%dma_wait3A_532, %dma_wait3A_533] : memref<100000x128xf32, #tpu.memory_space<hbm>> -> memref<100000x128xf32, #tpu.memory_space<hbm>>
      %dma_wait3A_535 = tpu.memref_slice %arg7[%dma_wait3A_524] : memref<8x!tpu.dma_semaphore, #tpu.memory_space<semaphore_mem>> -> memref<1x!tpu.dma_semaphore, #tpu.memory_space<semaphore_mem>>
      %dma_wait3A_536 = tpu.memref_squeeze %dma_wait3A_535 : memref<1x!tpu.dma_semaphore, #tpu.memory_space<semaphore_mem>> -> memref<!tpu.dma_semaphore, #tpu.memory_space<semaphore_mem>>
      tpu.wait_indirect_dma semaphore(%dma_wait3A_536 : memref<!tpu.dma_semaphore, #tpu.memory_space<semaphore_mem>>) src(%dma_wait3A_534 : memref<100000x128xf32, #tpu.memory_space<hbm>>) dst(%dma_wait3A_528 : memref<50x128xf32, #tpu.memory_space<vmem>>)
      %mul3A_537 = arith.constant 1 : i32
      %mul3A_538 = arith.muli %add3A_522, %mul3A_537 : i32
      %add3A_539 = arith.addi %mul3A_2, %mul3A_538 : i32
      %add3A_540 = arith.constant 0 : i32
      %add3A_541 = arith.addi %add3A_539, %add3A_540 : i32
      %dma_start3A_542 = arith.constant 5 : i32
      %dma_start3A_543 = arith.constant 5 : i32
      %dma_start3A_544 = arith.constant 0 : i32
      %dma_start3A_545 = arith.constant 0 : i32
      %dma_start3A_546 = tpu.memref_slice %arg6[%dma_start3A_542, %dma_start3A_544, %dma_start3A_545] : memref<8x50x128xf32, #tpu.memory_space<vmem>> -> memref<1x50x128xf32, #tpu.memory_space<vmem>>
      %dma_start3A_547 = tpu.memref_squeeze %dma_start3A_546 : memref<1x50x128xf32, #tpu.memory_space<vmem>> -> memref<50x128xf32, #tpu.memory_space<vmem>>
      %dma_start3A_548 = arith.constant 0 : i32
      %dma_start3A_549 = arith.constant 0 : i32
      %dma_start3A_550 = tpu.memref_slice %arg4[%add3A_541, %dma_start3A_548, %dma_start3A_549] : memref<4096x50x128xf32, #tpu.memory_space<hbm>> -> memref<1x50x128xf32, #tpu.memory_space<hbm>>
      %dma_start3A_551 = tpu.memref_squeeze %dma_start3A_550 : memref<1x50x128xf32, #tpu.memory_space<hbm>> -> memref<50x128xf32, #tpu.memory_space<hbm>>
      %dma_start3A_552 = tpu.memref_slice %arg8[%dma_start3A_543] : memref<8x!tpu.dma_semaphore, #tpu.memory_space<semaphore_mem>> -> memref<1x!tpu.dma_semaphore, #tpu.memory_space<semaphore_mem>>
      %dma_start3A_553 = tpu.memref_squeeze %dma_start3A_552 : memref<1x!tpu.dma_semaphore, #tpu.memory_space<semaphore_mem>> -> memref<!tpu.dma_semaphore, #tpu.memory_space<semaphore_mem>>
      %dma_start3A_554 = arith.constant 0 : i32
      %dma_start3A_555 = arith.constant 0 : i32
      %dma_start3A_556 = tpu.memref_slice %arg4[%add3A_541, %dma_start3A_554, %dma_start3A_555] : memref<4096x50x128xf32, #tpu.memory_space<hbm>> -> memref<1x50x128xf32, #tpu.memory_space<hbm>>
      %dma_start3A_557 = tpu.memref_squeeze %dma_start3A_556 : memref<1x50x128xf32, #tpu.memory_space<hbm>> -> memref<50x128xf32, #tpu.memory_space<hbm>>
      %dma_start3A_558 = arith.constant 0 : i32
      %dma_start3A_559 = arith.constant 0 : i32
      %dma_start3A_560 = tpu.memref_slice %arg6[%dma_start3A_542, %dma_start3A_558, %dma_start3A_559] : memref<8x50x128xf32, #tpu.memory_space<vmem>> -> memref<1x50x128xf32, #tpu.memory_space<vmem>>
      %dma_start3A_561 = tpu.memref_squeeze %dma_start3A_560 : memref<1x50x128xf32, #tpu.memory_space<vmem>> -> memref<50x128xf32, #tpu.memory_space<vmem>>
      tpu.enqueue_dma source(%dma_start3A_561 : memref<50x128xf32, #tpu.memory_space<vmem>>) target(%dma_start3A_557 : memref<50x128xf32, #tpu.memory_space<hbm>>) target_semaphore(%dma_start3A_553 : memref<!tpu.dma_semaphore, #tpu.memory_space<semaphore_mem>>)
      %add3A_562 = arith.constant 8 : i32
      %add3A_563 = arith.addi %add3A_522, %add3A_562 : i32
      %sub3A_564 = arith.constant 1 : i32
      %sub3A_565 = arith.subi %add3A_563, %sub3A_564 : i32
      %lt3A_566 = arith.constant 128 : i32
      %lt3A_567 = arith.cmpi slt, %sub3A_565, %lt3A_566 : i32
      %convert_element_type3A_568 = arith.extui %lt3A_567 : i1 to i32
      %cond3A_569 = arith.constant 0 : i32
      %cond3A_570 = arith.cmpi ne, %convert_element_type3A_568, %cond3A_569 : i32
      scf.if %cond3A_570 {
        %ge3A = arith.constant 1 : i32
        %ge3A_671 = arith.cmpi sge, %add3A_522, %ge3A : i32
        %convert_element_type3A_672 = arith.extui %ge3A_671 : i1 to i32
        %cond3A_673 = arith.constant 0 : i32
        %cond3A_674 = arith.cmpi ne, %convert_element_type3A_672, %cond3A_673 : i32
        scf.if %cond3A_674 {
          %dma_wait3A_689 = arith.constant 4 : i32
          %dma_wait3A_690 = arith.constant 4 : i32
          %dma_wait3A_691 = arith.constant 0 : i32
          %dma_wait3A_692 = arith.constant 0 : i32
          %dma_wait3A_693 = tpu.memref_slice %arg6[%dma_wait3A_689, %dma_wait3A_691, %dma_wait3A_692] : memref<8x50x128xf32, #tpu.memory_space<vmem>> -> memref<1x50x128xf32, #tpu.memory_space<vmem>>
          %dma_wait3A_694 = tpu.memref_squeeze %dma_wait3A_693 : memref<1x50x128xf32, #tpu.memory_space<vmem>> -> memref<50x128xf32, #tpu.memory_space<vmem>>
          %dma_wait3A_695 = arith.constant 0 : i32
          %dma_wait3A_696 = arith.constant 0 : i32
          %dma_wait3A_697 = tpu.memref_slice %arg4[%mul3A_2, %dma_wait3A_695, %dma_wait3A_696] : memref<4096x50x128xf32, #tpu.memory_space<hbm>> -> memref<1x50x128xf32, #tpu.memory_space<hbm>>
          %dma_wait3A_698 = tpu.memref_squeeze %dma_wait3A_697 : memref<1x50x128xf32, #tpu.memory_space<hbm>> -> memref<50x128xf32, #tpu.memory_space<hbm>>
          %dma_wait3A_699 = tpu.memref_slice %arg8[%dma_wait3A_690] : memref<8x!tpu.dma_semaphore, #tpu.memory_space<semaphore_mem>> -> memref<1x!tpu.dma_semaphore, #tpu.memory_space<semaphore_mem>>
          %dma_wait3A_700 = tpu.memref_squeeze %dma_wait3A_699 : memref<1x!tpu.dma_semaphore, #tpu.memory_space<semaphore_mem>> -> memref<!tpu.dma_semaphore, #tpu.memory_space<semaphore_mem>>
          %dma_wait3A_701 = arith.constant 0 : i32
          %dma_wait3A_702 = arith.constant 0 : i32
          %dma_wait3A_703 = tpu.memref_slice %arg4[%mul3A_2, %dma_wait3A_701, %dma_wait3A_702] : memref<4096x50x128xf32, #tpu.memory_space<hbm>> -> memref<1x50x128xf32, #tpu.memory_space<hbm>>
          %dma_wait3A_704 = tpu.memref_squeeze %dma_wait3A_703 : memref<1x50x128xf32, #tpu.memory_space<hbm>> -> memref<50x128xf32, #tpu.memory_space<hbm>>
          %dma_wait3A_705 = arith.constant 0 : i32
          %dma_wait3A_706 = arith.constant 0 : i32
          %dma_wait3A_707 = tpu.memref_slice %arg6[%dma_wait3A_689, %dma_wait3A_705, %dma_wait3A_706] : memref<8x50x128xf32, #tpu.memory_space<vmem>> -> memref<1x50x128xf32, #tpu.memory_space<vmem>>
          %dma_wait3A_708 = tpu.memref_squeeze %dma_wait3A_707 : memref<1x50x128xf32, #tpu.memory_space<vmem>> -> memref<50x128xf32, #tpu.memory_space<vmem>>
          tpu.wait_dma2 semaphore(%dma_wait3A_700 : memref<!tpu.dma_semaphore, #tpu.memory_space<semaphore_mem>>) src(%dma_wait3A_708 : memref<50x128xf32, #tpu.memory_space<vmem>>) dst(%dma_wait3A_704 : memref<50x128xf32, #tpu.memory_space<hbm>>)
        } else {
        }
        %dma_start3A_675 = arith.constant 4 : i32
        %dma_start3A_676 = arith.constant 4 : i32
        %dma_start3A_677 = arith.constant 0 : i32
        %dma_start3A_678 = arith.constant 0 : i32
        %dma_start3A_679 = tpu.memref_slice %arg6[%dma_start3A_675, %dma_start3A_677, %dma_start3A_678] : memref<8x50x128xf32, #tpu.memory_space<vmem>> -> memref<1x50x128xf32, #tpu.memory_space<vmem>>
        %dma_start3A_680 = tpu.memref_squeeze %dma_start3A_679 : memref<1x50x128xf32, #tpu.memory_space<vmem>> -> memref<50x128xf32, #tpu.memory_space<vmem>>
        %dma_start3A_681 = arith.constant 0 : i32
        %dma_start3A_682 = tpu.memref_slice %arg5[%sub3A_565, %dma_start3A_681] : memref<128x50xi32, #tpu.memory_space<vmem>> -> memref<1x50xi32, #tpu.memory_space<vmem>>
        %dma_start3A_683 = tpu.memref_squeeze %dma_start3A_682 : memref<1x50xi32, #tpu.memory_space<vmem>> -> memref<50xi32, #tpu.memory_space<vmem>>
        %dma_start3A_684 = arith.constant 0 : i32
        %dma_start3A_685 = arith.constant 0 : i32
        %dma_start3A_686 = tpu.memref_slice %arg2[%dma_start3A_684, %dma_start3A_685] : memref<100000x128xf32, #tpu.memory_space<hbm>> -> memref<100000x128xf32, #tpu.memory_space<hbm>>
        %dma_start3A_687 = tpu.memref_slice %arg7[%dma_start3A_676] : memref<8x!tpu.dma_semaphore, #tpu.memory_space<semaphore_mem>> -> memref<1x!tpu.dma_semaphore, #tpu.memory_space<semaphore_mem>>
        %dma_start3A_688 = tpu.memref_squeeze %dma_start3A_687 : memref<1x!tpu.dma_semaphore, #tpu.memory_space<semaphore_mem>> -> memref<!tpu.dma_semaphore, #tpu.memory_space<semaphore_mem>>
        tpu.enqueue_indirect_dma source(%dma_start3A_686 : memref<100000x128xf32, #tpu.memory_space<hbm>>) target(%dma_start3A_680 : memref<50x128xf32, #tpu.memory_space<vmem>>) offsets(%dma_start3A_683 : memref<50xi32, #tpu.memory_space<vmem>>) semaphore(%dma_start3A_688 : memref<!tpu.dma_semaphore, #tpu.memory_space<semaphore_mem>>)
      } else {
      }
      %add3A_571 = arith.constant 6 : i32
      %add3A_572 = arith.addi %add3A_274, %add3A_571 : i32
      %dma_wait3A_573 = arith.constant 6 : i32
      %dma_wait3A_574 = arith.constant 6 : i32
      %dma_wait3A_575 = arith.constant 0 : i32
      %dma_wait3A_576 = arith.constant 0 : i32
      %dma_wait3A_577 = tpu.memref_slice %arg6[%dma_wait3A_573, %dma_wait3A_575, %dma_wait3A_576] : memref<8x50x128xf32, #tpu.memory_space<vmem>> -> memref<1x50x128xf32, #tpu.memory_space<vmem>>
      %dma_wait3A_578 = tpu.memref_squeeze %dma_wait3A_577 : memref<1x50x128xf32, #tpu.memory_space<vmem>> -> memref<50x128xf32, #tpu.memory_space<vmem>>
      %dma_wait3A_579 = arith.constant 0 : i32
      %dma_wait3A_580 = tpu.memref_slice %arg5[%add3A_572, %dma_wait3A_579] : memref<128x50xi32, #tpu.memory_space<vmem>> -> memref<1x50xi32, #tpu.memory_space<vmem>>
      %dma_wait3A_581 = tpu.memref_squeeze %dma_wait3A_580 : memref<1x50xi32, #tpu.memory_space<vmem>> -> memref<50xi32, #tpu.memory_space<vmem>>
      %dma_wait3A_582 = arith.constant 0 : i32
      %dma_wait3A_583 = arith.constant 0 : i32
      %dma_wait3A_584 = tpu.memref_slice %arg2[%dma_wait3A_582, %dma_wait3A_583] : memref<100000x128xf32, #tpu.memory_space<hbm>> -> memref<100000x128xf32, #tpu.memory_space<hbm>>
      %dma_wait3A_585 = tpu.memref_slice %arg7[%dma_wait3A_574] : memref<8x!tpu.dma_semaphore, #tpu.memory_space<semaphore_mem>> -> memref<1x!tpu.dma_semaphore, #tpu.memory_space<semaphore_mem>>
      %dma_wait3A_586 = tpu.memref_squeeze %dma_wait3A_585 : memref<1x!tpu.dma_semaphore, #tpu.memory_space<semaphore_mem>> -> memref<!tpu.dma_semaphore, #tpu.memory_space<semaphore_mem>>
      tpu.wait_indirect_dma semaphore(%dma_wait3A_586 : memref<!tpu.dma_semaphore, #tpu.memory_space<semaphore_mem>>) src(%dma_wait3A_584 : memref<100000x128xf32, #tpu.memory_space<hbm>>) dst(%dma_wait3A_578 : memref<50x128xf32, #tpu.memory_space<vmem>>)
      %mul3A_587 = arith.constant 1 : i32
      %mul3A_588 = arith.muli %add3A_572, %mul3A_587 : i32
      %add3A_589 = arith.addi %mul3A_2, %mul3A_588 : i32
      %add3A_590 = arith.constant 0 : i32
      %add3A_591 = arith.addi %add3A_589, %add3A_590 : i32
      %dma_start3A_592 = arith.constant 6 : i32
      %dma_start3A_593 = arith.constant 6 : i32
      %dma_start3A_594 = arith.constant 0 : i32
      %dma_start3A_595 = arith.constant 0 : i32
      %dma_start3A_596 = tpu.memref_slice %arg6[%dma_start3A_592, %dma_start3A_594, %dma_start3A_595] : memref<8x50x128xf32, #tpu.memory_space<vmem>> -> memref<1x50x128xf32, #tpu.memory_space<vmem>>
      %dma_start3A_597 = tpu.memref_squeeze %dma_start3A_596 : memref<1x50x128xf32, #tpu.memory_space<vmem>> -> memref<50x128xf32, #tpu.memory_space<vmem>>
      %dma_start3A_598 = arith.constant 0 : i32
      %dma_start3A_599 = arith.constant 0 : i32
      %dma_start3A_600 = tpu.memref_slice %arg4[%add3A_591, %dma_start3A_598, %dma_start3A_599] : memref<4096x50x128xf32, #tpu.memory_space<hbm>> -> memref<1x50x128xf32, #tpu.memory_space<hbm>>
      %dma_start3A_601 = tpu.memref_squeeze %dma_start3A_600 : memref<1x50x128xf32, #tpu.memory_space<hbm>> -> memref<50x128xf32, #tpu.memory_space<hbm>>
      %dma_start3A_602 = tpu.memref_slice %arg8[%dma_start3A_593] : memref<8x!tpu.dma_semaphore, #tpu.memory_space<semaphore_mem>> -> memref<1x!tpu.dma_semaphore, #tpu.memory_space<semaphore_mem>>
      %dma_start3A_603 = tpu.memref_squeeze %dma_start3A_602 : memref<1x!tpu.dma_semaphore, #tpu.memory_space<semaphore_mem>> -> memref<!tpu.dma_semaphore, #tpu.memory_space<semaphore_mem>>
      %dma_start3A_604 = arith.constant 0 : i32
      %dma_start3A_605 = arith.constant 0 : i32
      %dma_start3A_606 = tpu.memref_slice %arg4[%add3A_591, %dma_start3A_604, %dma_start3A_605] : memref<4096x50x128xf32, #tpu.memory_space<hbm>> -> memref<1x50x128xf32, #tpu.memory_space<hbm>>
      %dma_start3A_607 = tpu.memref_squeeze %dma_start3A_606 : memref<1x50x128xf32, #tpu.memory_space<hbm>> -> memref<50x128xf32, #tpu.memory_space<hbm>>
      %dma_start3A_608 = arith.constant 0 : i32
      %dma_start3A_609 = arith.constant 0 : i32
      %dma_start3A_610 = tpu.memref_slice %arg6[%dma_start3A_592, %dma_start3A_608, %dma_start3A_609] : memref<8x50x128xf32, #tpu.memory_space<vmem>> -> memref<1x50x128xf32, #tpu.memory_space<vmem>>
      %dma_start3A_611 = tpu.memref_squeeze %dma_start3A_610 : memref<1x50x128xf32, #tpu.memory_space<vmem>> -> memref<50x128xf32, #tpu.memory_space<vmem>>
      tpu.enqueue_dma source(%dma_start3A_611 : memref<50x128xf32, #tpu.memory_space<vmem>>) target(%dma_start3A_607 : memref<50x128xf32, #tpu.memory_space<hbm>>) target_semaphore(%dma_start3A_603 : memref<!tpu.dma_semaphore, #tpu.memory_space<semaphore_mem>>)
      %add3A_612 = arith.constant 8 : i32
      %add3A_613 = arith.addi %add3A_572, %add3A_612 : i32
      %sub3A_614 = arith.constant 1 : i32
      %sub3A_615 = arith.subi %add3A_613, %sub3A_614 : i32
      %lt3A_616 = arith.constant 128 : i32
      %lt3A_617 = arith.cmpi slt, %sub3A_615, %lt3A_616 : i32
      %convert_element_type3A_618 = arith.extui %lt3A_617 : i1 to i32
      %cond3A_619 = arith.constant 0 : i32
      %cond3A_620 = arith.cmpi ne, %convert_element_type3A_618, %cond3A_619 : i32
      scf.if %cond3A_620 {
        %ge3A = arith.constant 1 : i32
        %ge3A_671 = arith.cmpi sge, %add3A_572, %ge3A : i32
        %convert_element_type3A_672 = arith.extui %ge3A_671 : i1 to i32
        %cond3A_673 = arith.constant 0 : i32
        %cond3A_674 = arith.cmpi ne, %convert_element_type3A_672, %cond3A_673 : i32
        scf.if %cond3A_674 {
          %dma_wait3A_689 = arith.constant 5 : i32
          %dma_wait3A_690 = arith.constant 5 : i32
          %dma_wait3A_691 = arith.constant 0 : i32
          %dma_wait3A_692 = arith.constant 0 : i32
          %dma_wait3A_693 = tpu.memref_slice %arg6[%dma_wait3A_689, %dma_wait3A_691, %dma_wait3A_692] : memref<8x50x128xf32, #tpu.memory_space<vmem>> -> memref<1x50x128xf32, #tpu.memory_space<vmem>>
          %dma_wait3A_694 = tpu.memref_squeeze %dma_wait3A_693 : memref<1x50x128xf32, #tpu.memory_space<vmem>> -> memref<50x128xf32, #tpu.memory_space<vmem>>
          %dma_wait3A_695 = arith.constant 0 : i32
          %dma_wait3A_696 = arith.constant 0 : i32
          %dma_wait3A_697 = tpu.memref_slice %arg4[%mul3A_2, %dma_wait3A_695, %dma_wait3A_696] : memref<4096x50x128xf32, #tpu.memory_space<hbm>> -> memref<1x50x128xf32, #tpu.memory_space<hbm>>
          %dma_wait3A_698 = tpu.memref_squeeze %dma_wait3A_697 : memref<1x50x128xf32, #tpu.memory_space<hbm>> -> memref<50x128xf32, #tpu.memory_space<hbm>>
          %dma_wait3A_699 = tpu.memref_slice %arg8[%dma_wait3A_690] : memref<8x!tpu.dma_semaphore, #tpu.memory_space<semaphore_mem>> -> memref<1x!tpu.dma_semaphore, #tpu.memory_space<semaphore_mem>>
          %dma_wait3A_700 = tpu.memref_squeeze %dma_wait3A_699 : memref<1x!tpu.dma_semaphore, #tpu.memory_space<semaphore_mem>> -> memref<!tpu.dma_semaphore, #tpu.memory_space<semaphore_mem>>
          %dma_wait3A_701 = arith.constant 0 : i32
          %dma_wait3A_702 = arith.constant 0 : i32
          %dma_wait3A_703 = tpu.memref_slice %arg4[%mul3A_2, %dma_wait3A_701, %dma_wait3A_702] : memref<4096x50x128xf32, #tpu.memory_space<hbm>> -> memref<1x50x128xf32, #tpu.memory_space<hbm>>
          %dma_wait3A_704 = tpu.memref_squeeze %dma_wait3A_703 : memref<1x50x128xf32, #tpu.memory_space<hbm>> -> memref<50x128xf32, #tpu.memory_space<hbm>>
          %dma_wait3A_705 = arith.constant 0 : i32
          %dma_wait3A_706 = arith.constant 0 : i32
          %dma_wait3A_707 = tpu.memref_slice %arg6[%dma_wait3A_689, %dma_wait3A_705, %dma_wait3A_706] : memref<8x50x128xf32, #tpu.memory_space<vmem>> -> memref<1x50x128xf32, #tpu.memory_space<vmem>>
          %dma_wait3A_708 = tpu.memref_squeeze %dma_wait3A_707 : memref<1x50x128xf32, #tpu.memory_space<vmem>> -> memref<50x128xf32, #tpu.memory_space<vmem>>
          tpu.wait_dma2 semaphore(%dma_wait3A_700 : memref<!tpu.dma_semaphore, #tpu.memory_space<semaphore_mem>>) src(%dma_wait3A_708 : memref<50x128xf32, #tpu.memory_space<vmem>>) dst(%dma_wait3A_704 : memref<50x128xf32, #tpu.memory_space<hbm>>)
        } else {
        }
        %dma_start3A_675 = arith.constant 5 : i32
        %dma_start3A_676 = arith.constant 5 : i32
        %dma_start3A_677 = arith.constant 0 : i32
        %dma_start3A_678 = arith.constant 0 : i32
        %dma_start3A_679 = tpu.memref_slice %arg6[%dma_start3A_675, %dma_start3A_677, %dma_start3A_678] : memref<8x50x128xf32, #tpu.memory_space<vmem>> -> memref<1x50x128xf32, #tpu.memory_space<vmem>>
        %dma_start3A_680 = tpu.memref_squeeze %dma_start3A_679 : memref<1x50x128xf32, #tpu.memory_space<vmem>> -> memref<50x128xf32, #tpu.memory_space<vmem>>
        %dma_start3A_681 = arith.constant 0 : i32
        %dma_start3A_682 = tpu.memref_slice %arg5[%sub3A_615, %dma_start3A_681] : memref<128x50xi32, #tpu.memory_space<vmem>> -> memref<1x50xi32, #tpu.memory_space<vmem>>
        %dma_start3A_683 = tpu.memref_squeeze %dma_start3A_682 : memref<1x50xi32, #tpu.memory_space<vmem>> -> memref<50xi32, #tpu.memory_space<vmem>>
        %dma_start3A_684 = arith.constant 0 : i32
        %dma_start3A_685 = arith.constant 0 : i32
        %dma_start3A_686 = tpu.memref_slice %arg2[%dma_start3A_684, %dma_start3A_685] : memref<100000x128xf32, #tpu.memory_space<hbm>> -> memref<100000x128xf32, #tpu.memory_space<hbm>>
        %dma_start3A_687 = tpu.memref_slice %arg7[%dma_start3A_676] : memref<8x!tpu.dma_semaphore, #tpu.memory_space<semaphore_mem>> -> memref<1x!tpu.dma_semaphore, #tpu.memory_space<semaphore_mem>>
        %dma_start3A_688 = tpu.memref_squeeze %dma_start3A_687 : memref<1x!tpu.dma_semaphore, #tpu.memory_space<semaphore_mem>> -> memref<!tpu.dma_semaphore, #tpu.memory_space<semaphore_mem>>
        tpu.enqueue_indirect_dma source(%dma_start3A_686 : memref<100000x128xf32, #tpu.memory_space<hbm>>) target(%dma_start3A_680 : memref<50x128xf32, #tpu.memory_space<vmem>>) offsets(%dma_start3A_683 : memref<50xi32, #tpu.memory_space<vmem>>) semaphore(%dma_start3A_688 : memref<!tpu.dma_semaphore, #tpu.memory_space<semaphore_mem>>)
      } else {
      }
      %add3A_621 = arith.constant 7 : i32
      %add3A_622 = arith.addi %add3A_274, %add3A_621 : i32
      %dma_wait3A_623 = arith.constant 7 : i32
      %dma_wait3A_624 = arith.constant 7 : i32
      %dma_wait3A_625 = arith.constant 0 : i32
      %dma_wait3A_626 = arith.constant 0 : i32
      %dma_wait3A_627 = tpu.memref_slice %arg6[%dma_wait3A_623, %dma_wait3A_625, %dma_wait3A_626] : memref<8x50x128xf32, #tpu.memory_space<vmem>> -> memref<1x50x128xf32, #tpu.memory_space<vmem>>
      %dma_wait3A_628 = tpu.memref_squeeze %dma_wait3A_627 : memref<1x50x128xf32, #tpu.memory_space<vmem>> -> memref<50x128xf32, #tpu.memory_space<vmem>>
      %dma_wait3A_629 = arith.constant 0 : i32
      %dma_wait3A_630 = tpu.memref_slice %arg5[%add3A_622, %dma_wait3A_629] : memref<128x50xi32, #tpu.memory_space<vmem>> -> memref<1x50xi32, #tpu.memory_space<vmem>>
      %dma_wait3A_631 = tpu.memref_squeeze %dma_wait3A_630 : memref<1x50xi32, #tpu.memory_space<vmem>> -> memref<50xi32, #tpu.memory_space<vmem>>
      %dma_wait3A_632 = arith.constant 0 : i32
      %dma_wait3A_633 = arith.constant 0 : i32
      %dma_wait3A_634 = tpu.memref_slice %arg2[%dma_wait3A_632, %dma_wait3A_633] : memref<100000x128xf32, #tpu.memory_space<hbm>> -> memref<100000x128xf32, #tpu.memory_space<hbm>>
      %dma_wait3A_635 = tpu.memref_slice %arg7[%dma_wait3A_624] : memref<8x!tpu.dma_semaphore, #tpu.memory_space<semaphore_mem>> -> memref<1x!tpu.dma_semaphore, #tpu.memory_space<semaphore_mem>>
      %dma_wait3A_636 = tpu.memref_squeeze %dma_wait3A_635 : memref<1x!tpu.dma_semaphore, #tpu.memory_space<semaphore_mem>> -> memref<!tpu.dma_semaphore, #tpu.memory_space<semaphore_mem>>
      tpu.wait_indirect_dma semaphore(%dma_wait3A_636 : memref<!tpu.dma_semaphore, #tpu.memory_space<semaphore_mem>>) src(%dma_wait3A_634 : memref<100000x128xf32, #tpu.memory_space<hbm>>) dst(%dma_wait3A_628 : memref<50x128xf32, #tpu.memory_space<vmem>>)
      %mul3A_637 = arith.constant 1 : i32
      %mul3A_638 = arith.muli %add3A_622, %mul3A_637 : i32
      %add3A_639 = arith.addi %mul3A_2, %mul3A_638 : i32
      %add3A_640 = arith.constant 0 : i32
      %add3A_641 = arith.addi %add3A_639, %add3A_640 : i32
      %dma_start3A_642 = arith.constant 7 : i32
      %dma_start3A_643 = arith.constant 7 : i32
      %dma_start3A_644 = arith.constant 0 : i32
      %dma_start3A_645 = arith.constant 0 : i32
      %dma_start3A_646 = tpu.memref_slice %arg6[%dma_start3A_642, %dma_start3A_644, %dma_start3A_645] : memref<8x50x128xf32, #tpu.memory_space<vmem>> -> memref<1x50x128xf32, #tpu.memory_space<vmem>>
      %dma_start3A_647 = tpu.memref_squeeze %dma_start3A_646 : memref<1x50x128xf32, #tpu.memory_space<vmem>> -> memref<50x128xf32, #tpu.memory_space<vmem>>
      %dma_start3A_648 = arith.constant 0 : i32
      %dma_start3A_649 = arith.constant 0 : i32
      %dma_start3A_650 = tpu.memref_slice %arg4[%add3A_641, %dma_start3A_648, %dma_start3A_649] : memref<4096x50x128xf32, #tpu.memory_space<hbm>> -> memref<1x50x128xf32, #tpu.memory_space<hbm>>
      %dma_start3A_651 = tpu.memref_squeeze %dma_start3A_650 : memref<1x50x128xf32, #tpu.memory_space<hbm>> -> memref<50x128xf32, #tpu.memory_space<hbm>>
      %dma_start3A_652 = tpu.memref_slice %arg8[%dma_start3A_643] : memref<8x!tpu.dma_semaphore, #tpu.memory_space<semaphore_mem>> -> memref<1x!tpu.dma_semaphore, #tpu.memory_space<semaphore_mem>>
      %dma_start3A_653 = tpu.memref_squeeze %dma_start3A_652 : memref<1x!tpu.dma_semaphore, #tpu.memory_space<semaphore_mem>> -> memref<!tpu.dma_semaphore, #tpu.memory_space<semaphore_mem>>
      %dma_start3A_654 = arith.constant 0 : i32
      %dma_start3A_655 = arith.constant 0 : i32
      %dma_start3A_656 = tpu.memref_slice %arg4[%add3A_641, %dma_start3A_654, %dma_start3A_655] : memref<4096x50x128xf32, #tpu.memory_space<hbm>> -> memref<1x50x128xf32, #tpu.memory_space<hbm>>
      %dma_start3A_657 = tpu.memref_squeeze %dma_start3A_656 : memref<1x50x128xf32, #tpu.memory_space<hbm>> -> memref<50x128xf32, #tpu.memory_space<hbm>>
      %dma_start3A_658 = arith.constant 0 : i32
      %dma_start3A_659 = arith.constant 0 : i32
      %dma_start3A_660 = tpu.memref_slice %arg6[%dma_start3A_642, %dma_start3A_658, %dma_start3A_659] : memref<8x50x128xf32, #tpu.memory_space<vmem>> -> memref<1x50x128xf32, #tpu.memory_space<vmem>>
      %dma_start3A_661 = tpu.memref_squeeze %dma_start3A_660 : memref<1x50x128xf32, #tpu.memory_space<vmem>> -> memref<50x128xf32, #tpu.memory_space<vmem>>
      tpu.enqueue_dma source(%dma_start3A_661 : memref<50x128xf32, #tpu.memory_space<vmem>>) target(%dma_start3A_657 : memref<50x128xf32, #tpu.memory_space<hbm>>) target_semaphore(%dma_start3A_653 : memref<!tpu.dma_semaphore, #tpu.memory_space<semaphore_mem>>)
      %add3A_662 = arith.constant 8 : i32
      %add3A_663 = arith.addi %add3A_622, %add3A_662 : i32
      %sub3A_664 = arith.constant 1 : i32
      %sub3A_665 = arith.subi %add3A_663, %sub3A_664 : i32
      %lt3A_666 = arith.constant 128 : i32
      %lt3A_667 = arith.cmpi slt, %sub3A_665, %lt3A_666 : i32
      %convert_element_type3A_668 = arith.extui %lt3A_667 : i1 to i32
      %cond3A_669 = arith.constant 0 : i32
      %cond3A_670 = arith.cmpi ne, %convert_element_type3A_668, %cond3A_669 : i32
      scf.if %cond3A_670 {
        %ge3A = arith.constant 1 : i32
        %ge3A_671 = arith.cmpi sge, %add3A_622, %ge3A : i32
        %convert_element_type3A_672 = arith.extui %ge3A_671 : i1 to i32
        %cond3A_673 = arith.constant 0 : i32
        %cond3A_674 = arith.cmpi ne, %convert_element_type3A_672, %cond3A_673 : i32
        scf.if %cond3A_674 {
          %dma_wait3A_689 = arith.constant 6 : i32
          %dma_wait3A_690 = arith.constant 6 : i32
          %dma_wait3A_691 = arith.constant 0 : i32
          %dma_wait3A_692 = arith.constant 0 : i32
          %dma_wait3A_693 = tpu.memref_slice %arg6[%dma_wait3A_689, %dma_wait3A_691, %dma_wait3A_692] : memref<8x50x128xf32, #tpu.memory_space<vmem>> -> memref<1x50x128xf32, #tpu.memory_space<vmem>>
          %dma_wait3A_694 = tpu.memref_squeeze %dma_wait3A_693 : memref<1x50x128xf32, #tpu.memory_space<vmem>> -> memref<50x128xf32, #tpu.memory_space<vmem>>
          %dma_wait3A_695 = arith.constant 0 : i32
          %dma_wait3A_696 = arith.constant 0 : i32
          %dma_wait3A_697 = tpu.memref_slice %arg4[%mul3A_2, %dma_wait3A_695, %dma_wait3A_696] : memref<4096x50x128xf32, #tpu.memory_space<hbm>> -> memref<1x50x128xf32, #tpu.memory_space<hbm>>
          %dma_wait3A_698 = tpu.memref_squeeze %dma_wait3A_697 : memref<1x50x128xf32, #tpu.memory_space<hbm>> -> memref<50x128xf32, #tpu.memory_space<hbm>>
          %dma_wait3A_699 = tpu.memref_slice %arg8[%dma_wait3A_690] : memref<8x!tpu.dma_semaphore, #tpu.memory_space<semaphore_mem>> -> memref<1x!tpu.dma_semaphore, #tpu.memory_space<semaphore_mem>>
          %dma_wait3A_700 = tpu.memref_squeeze %dma_wait3A_699 : memref<1x!tpu.dma_semaphore, #tpu.memory_space<semaphore_mem>> -> memref<!tpu.dma_semaphore, #tpu.memory_space<semaphore_mem>>
          %dma_wait3A_701 = arith.constant 0 : i32
          %dma_wait3A_702 = arith.constant 0 : i32
          %dma_wait3A_703 = tpu.memref_slice %arg4[%mul3A_2, %dma_wait3A_701, %dma_wait3A_702] : memref<4096x50x128xf32, #tpu.memory_space<hbm>> -> memref<1x50x128xf32, #tpu.memory_space<hbm>>
          %dma_wait3A_704 = tpu.memref_squeeze %dma_wait3A_703 : memref<1x50x128xf32, #tpu.memory_space<hbm>> -> memref<50x128xf32, #tpu.memory_space<hbm>>
          %dma_wait3A_705 = arith.constant 0 : i32
          %dma_wait3A_706 = arith.constant 0 : i32
          %dma_wait3A_707 = tpu.memref_slice %arg6[%dma_wait3A_689, %dma_wait3A_705, %dma_wait3A_706] : memref<8x50x128xf32, #tpu.memory_space<vmem>> -> memref<1x50x128xf32, #tpu.memory_space<vmem>>
          %dma_wait3A_708 = tpu.memref_squeeze %dma_wait3A_707 : memref<1x50x128xf32, #tpu.memory_space<vmem>> -> memref<50x128xf32, #tpu.memory_space<vmem>>
          tpu.wait_dma2 semaphore(%dma_wait3A_700 : memref<!tpu.dma_semaphore, #tpu.memory_space<semaphore_mem>>) src(%dma_wait3A_708 : memref<50x128xf32, #tpu.memory_space<vmem>>) dst(%dma_wait3A_704 : memref<50x128xf32, #tpu.memory_space<hbm>>)
        } else {
        }
        %dma_start3A_675 = arith.constant 6 : i32
        %dma_start3A_676 = arith.constant 6 : i32
        %dma_start3A_677 = arith.constant 0 : i32
        %dma_start3A_678 = arith.constant 0 : i32
        %dma_start3A_679 = tpu.memref_slice %arg6[%dma_start3A_675, %dma_start3A_677, %dma_start3A_678] : memref<8x50x128xf32, #tpu.memory_space<vmem>> -> memref<1x50x128xf32, #tpu.memory_space<vmem>>
        %dma_start3A_680 = tpu.memref_squeeze %dma_start3A_679 : memref<1x50x128xf32, #tpu.memory_space<vmem>> -> memref<50x128xf32, #tpu.memory_space<vmem>>
        %dma_start3A_681 = arith.constant 0 : i32
        %dma_start3A_682 = tpu.memref_slice %arg5[%sub3A_665, %dma_start3A_681] : memref<128x50xi32, #tpu.memory_space<vmem>> -> memref<1x50xi32, #tpu.memory_space<vmem>>
        %dma_start3A_683 = tpu.memref_squeeze %dma_start3A_682 : memref<1x50xi32, #tpu.memory_space<vmem>> -> memref<50xi32, #tpu.memory_space<vmem>>
        %dma_start3A_684 = arith.constant 0 : i32
        %dma_start3A_685 = arith.constant 0 : i32
        %dma_start3A_686 = tpu.memref_slice %arg2[%dma_start3A_684, %dma_start3A_685] : memref<100000x128xf32, #tpu.memory_space<hbm>> -> memref<100000x128xf32, #tpu.memory_space<hbm>>
        %dma_start3A_687 = tpu.memref_slice %arg7[%dma_start3A_676] : memref<8x!tpu.dma_semaphore, #tpu.memory_space<semaphore_mem>> -> memref<1x!tpu.dma_semaphore, #tpu.memory_space<semaphore_mem>>
        %dma_start3A_688 = tpu.memref_squeeze %dma_start3A_687 : memref<1x!tpu.dma_semaphore, #tpu.memory_space<semaphore_mem>> -> memref<!tpu.dma_semaphore, #tpu.memory_space<semaphore_mem>>
        tpu.enqueue_indirect_dma source(%dma_start3A_686 : memref<100000x128xf32, #tpu.memory_space<hbm>>) target(%dma_start3A_680 : memref<50x128xf32, #tpu.memory_space<vmem>>) offsets(%dma_start3A_683 : memref<50xi32, #tpu.memory_space<vmem>>) semaphore(%dma_start3A_688 : memref<!tpu.dma_semaphore, #tpu.memory_space<semaphore_mem>>)
      } else {
      }
    }
    %scan3A_110 = arith.constant 16 : i32
    %dma_wait3A = arith.constant 0 : i32
    %dma_wait3A_111 = arith.constant 0 : i32
    %dma_wait3A_112 = arith.constant 0 : i32
    %dma_wait3A_113 = arith.constant 0 : i32
    %dma_wait3A_114 = tpu.memref_slice %arg6[%dma_wait3A, %dma_wait3A_112, %dma_wait3A_113] : memref<8x50x128xf32, #tpu.memory_space<vmem>> -> memref<1x50x128xf32, #tpu.memory_space<vmem>>
    %dma_wait3A_115 = tpu.memref_squeeze %dma_wait3A_114 : memref<1x50x128xf32, #tpu.memory_space<vmem>> -> memref<50x128xf32, #tpu.memory_space<vmem>>
    %dma_wait3A_116 = arith.constant 0 : i32
    %dma_wait3A_117 = arith.constant 0 : i32
    %dma_wait3A_118 = tpu.memref_slice %arg4[%mul3A_2, %dma_wait3A_116, %dma_wait3A_117] : memref<4096x50x128xf32, #tpu.memory_space<hbm>> -> memref<1x50x128xf32, #tpu.memory_space<hbm>>
    %dma_wait3A_119 = tpu.memref_squeeze %dma_wait3A_118 : memref<1x50x128xf32, #tpu.memory_space<hbm>> -> memref<50x128xf32, #tpu.memory_space<hbm>>
    %dma_wait3A_120 = tpu.memref_slice %arg8[%dma_wait3A_111] : memref<8x!tpu.dma_semaphore, #tpu.memory_space<semaphore_mem>> -> memref<1x!tpu.dma_semaphore, #tpu.memory_space<semaphore_mem>>
    %dma_wait3A_121 = tpu.memref_squeeze %dma_wait3A_120 : memref<1x!tpu.dma_semaphore, #tpu.memory_space<semaphore_mem>> -> memref<!tpu.dma_semaphore, #tpu.memory_space<semaphore_mem>>
    %dma_wait3A_122 = arith.constant 0 : i32
    %dma_wait3A_123 = arith.constant 0 : i32
    %dma_wait3A_124 = tpu.memref_slice %arg4[%mul3A_2, %dma_wait3A_122, %dma_wait3A_123] : memref<4096x50x128xf32, #tpu.memory_space<hbm>> -> memref<1x50x128xf32, #tpu.memory_space<hbm>>
    %dma_wait3A_125 = tpu.memref_squeeze %dma_wait3A_124 : memref<1x50x128xf32, #tpu.memory_space<hbm>> -> memref<50x128xf32, #tpu.memory_space<hbm>>
    %dma_wait3A_126 = arith.constant 0 : i32
    %dma_wait3A_127 = arith.constant 0 : i32
    %dma_wait3A_128 = tpu.memref_slice %arg6[%dma_wait3A, %dma_wait3A_126, %dma_wait3A_127] : memref<8x50x128xf32, #tpu.memory_space<vmem>> -> memref<1x50x128xf32, #tpu.memory_space<vmem>>
    %dma_wait3A_129 = tpu.memref_squeeze %dma_wait3A_128 : memref<1x50x128xf32, #tpu.memory_space<vmem>> -> memref<50x128xf32, #tpu.memory_space<vmem>>
    tpu.wait_dma2 semaphore(%dma_wait3A_121 : memref<!tpu.dma_semaphore, #tpu.memory_space<semaphore_mem>>) src(%dma_wait3A_129 : memref<50x128xf32, #tpu.memory_space<vmem>>) dst(%dma_wait3A_125 : memref<50x128xf32, #tpu.memory_space<hbm>>)
    %dma_wait3A_130 = arith.constant 1 : i32
    %dma_wait3A_131 = arith.constant 1 : i32
    %dma_wait3A_132 = arith.constant 0 : i32
    %dma_wait3A_133 = arith.constant 0 : i32
    %dma_wait3A_134 = tpu.memref_slice %arg6[%dma_wait3A_130, %dma_wait3A_132, %dma_wait3A_133] : memref<8x50x128xf32, #tpu.memory_space<vmem>> -> memref<1x50x128xf32, #tpu.memory_space<vmem>>
    %dma_wait3A_135 = tpu.memref_squeeze %dma_wait3A_134 : memref<1x50x128xf32, #tpu.memory_space<vmem>> -> memref<50x128xf32, #tpu.memory_space<vmem>>
    %dma_wait3A_136 = arith.constant 0 : i32
    %dma_wait3A_137 = arith.constant 0 : i32
    %dma_wait3A_138 = tpu.memref_slice %arg4[%mul3A_2, %dma_wait3A_136, %dma_wait3A_137] : memref<4096x50x128xf32, #tpu.memory_space<hbm>> -> memref<1x50x128xf32, #tpu.memory_space<hbm>>
    %dma_wait3A_139 = tpu.memref_squeeze %dma_wait3A_138 : memref<1x50x128xf32, #tpu.memory_space<hbm>> -> memref<50x128xf32, #tpu.memory_space<hbm>>
    %dma_wait3A_140 = tpu.memref_slice %arg8[%dma_wait3A_131] : memref<8x!tpu.dma_semaphore, #tpu.memory_space<semaphore_mem>> -> memref<1x!tpu.dma_semaphore, #tpu.memory_space<semaphore_mem>>
    %dma_wait3A_141 = tpu.memref_squeeze %dma_wait3A_140 : memref<1x!tpu.dma_semaphore, #tpu.memory_space<semaphore_mem>> -> memref<!tpu.dma_semaphore, #tpu.memory_space<semaphore_mem>>
    %dma_wait3A_142 = arith.constant 0 : i32
    %dma_wait3A_143 = arith.constant 0 : i32
    %dma_wait3A_144 = tpu.memref_slice %arg4[%mul3A_2, %dma_wait3A_142, %dma_wait3A_143] : memref<4096x50x128xf32, #tpu.memory_space<hbm>> -> memref<1x50x128xf32, #tpu.memory_space<hbm>>
    %dma_wait3A_145 = tpu.memref_squeeze %dma_wait3A_144 : memref<1x50x128xf32, #tpu.memory_space<hbm>> -> memref<50x128xf32, #tpu.memory_space<hbm>>
    %dma_wait3A_146 = arith.constant 0 : i32
    %dma_wait3A_147 = arith.constant 0 : i32
    %dma_wait3A_148 = tpu.memref_slice %arg6[%dma_wait3A_130, %dma_wait3A_146, %dma_wait3A_147] : memref<8x50x128xf32, #tpu.memory_space<vmem>> -> memref<1x50x128xf32, #tpu.memory_space<vmem>>
    %dma_wait3A_149 = tpu.memref_squeeze %dma_wait3A_148 : memref<1x50x128xf32, #tpu.memory_space<vmem>> -> memref<50x128xf32, #tpu.memory_space<vmem>>
    tpu.wait_dma2 semaphore(%dma_wait3A_141 : memref<!tpu.dma_semaphore, #tpu.memory_space<semaphore_mem>>) src(%dma_wait3A_149 : memref<50x128xf32, #tpu.memory_space<vmem>>) dst(%dma_wait3A_145 : memref<50x128xf32, #tpu.memory_space<hbm>>)
    %dma_wait3A_150 = arith.constant 2 : i32
    %dma_wait3A_151 = arith.constant 2 : i32
    %dma_wait3A_152 = arith.constant 0 : i32
    %dma_wait3A_153 = arith.constant 0 : i32
    %dma_wait3A_154 = tpu.memref_slice %arg6[%dma_wait3A_150, %dma_wait3A_152, %dma_wait3A_153] : memref<8x50x128xf32, #tpu.memory_space<vmem>> -> memref<1x50x128xf32, #tpu.memory_space<vmem>>
    %dma_wait3A_155 = tpu.memref_squeeze %dma_wait3A_154 : memref<1x50x128xf32, #tpu.memory_space<vmem>> -> memref<50x128xf32, #tpu.memory_space<vmem>>
    %dma_wait3A_156 = arith.constant 0 : i32
    %dma_wait3A_157 = arith.constant 0 : i32
    %dma_wait3A_158 = tpu.memref_slice %arg4[%mul3A_2, %dma_wait3A_156, %dma_wait3A_157] : memref<4096x50x128xf32, #tpu.memory_space<hbm>> -> memref<1x50x128xf32, #tpu.memory_space<hbm>>
    %dma_wait3A_159 = tpu.memref_squeeze %dma_wait3A_158 : memref<1x50x128xf32, #tpu.memory_space<hbm>> -> memref<50x128xf32, #tpu.memory_space<hbm>>
    %dma_wait3A_160 = tpu.memref_slice %arg8[%dma_wait3A_151] : memref<8x!tpu.dma_semaphore, #tpu.memory_space<semaphore_mem>> -> memref<1x!tpu.dma_semaphore, #tpu.memory_space<semaphore_mem>>
    %dma_wait3A_161 = tpu.memref_squeeze %dma_wait3A_160 : memref<1x!tpu.dma_semaphore, #tpu.memory_space<semaphore_mem>> -> memref<!tpu.dma_semaphore, #tpu.memory_space<semaphore_mem>>
    %dma_wait3A_162 = arith.constant 0 : i32
    %dma_wait3A_163 = arith.constant 0 : i32
    %dma_wait3A_164 = tpu.memref_slice %arg4[%mul3A_2, %dma_wait3A_162, %dma_wait3A_163] : memref<4096x50x128xf32, #tpu.memory_space<hbm>> -> memref<1x50x128xf32, #tpu.memory_space<hbm>>
    %dma_wait3A_165 = tpu.memref_squeeze %dma_wait3A_164 : memref<1x50x128xf32, #tpu.memory_space<hbm>> -> memref<50x128xf32, #tpu.memory_space<hbm>>
    %dma_wait3A_166 = arith.constant 0 : i32
    %dma_wait3A_167 = arith.constant 0 : i32
    %dma_wait3A_168 = tpu.memref_slice %arg6[%dma_wait3A_150, %dma_wait3A_166, %dma_wait3A_167] : memref<8x50x128xf32, #tpu.memory_space<vmem>> -> memref<1x50x128xf32, #tpu.memory_space<vmem>>
    %dma_wait3A_169 = tpu.memref_squeeze %dma_wait3A_168 : memref<1x50x128xf32, #tpu.memory_space<vmem>> -> memref<50x128xf32, #tpu.memory_space<vmem>>
    tpu.wait_dma2 semaphore(%dma_wait3A_161 : memref<!tpu.dma_semaphore, #tpu.memory_space<semaphore_mem>>) src(%dma_wait3A_169 : memref<50x128xf32, #tpu.memory_space<vmem>>) dst(%dma_wait3A_165 : memref<50x128xf32, #tpu.memory_space<hbm>>)
    %dma_wait3A_170 = arith.constant 3 : i32
    %dma_wait3A_171 = arith.constant 3 : i32
    %dma_wait3A_172 = arith.constant 0 : i32
    %dma_wait3A_173 = arith.constant 0 : i32
    %dma_wait3A_174 = tpu.memref_slice %arg6[%dma_wait3A_170, %dma_wait3A_172, %dma_wait3A_173] : memref<8x50x128xf32, #tpu.memory_space<vmem>> -> memref<1x50x128xf32, #tpu.memory_space<vmem>>
    %dma_wait3A_175 = tpu.memref_squeeze %dma_wait3A_174 : memref<1x50x128xf32, #tpu.memory_space<vmem>> -> memref<50x128xf32, #tpu.memory_space<vmem>>
    %dma_wait3A_176 = arith.constant 0 : i32
    %dma_wait3A_177 = arith.constant 0 : i32
    %dma_wait3A_178 = tpu.memref_slice %arg4[%mul3A_2, %dma_wait3A_176, %dma_wait3A_177] : memref<4096x50x128xf32, #tpu.memory_space<hbm>> -> memref<1x50x128xf32, #tpu.memory_space<hbm>>
    %dma_wait3A_179 = tpu.memref_squeeze %dma_wait3A_178 : memref<1x50x128xf32, #tpu.memory_space<hbm>> -> memref<50x128xf32, #tpu.memory_space<hbm>>
    %dma_wait3A_180 = tpu.memref_slice %arg8[%dma_wait3A_171] : memref<8x!tpu.dma_semaphore, #tpu.memory_space<semaphore_mem>> -> memref<1x!tpu.dma_semaphore, #tpu.memory_space<semaphore_mem>>
    %dma_wait3A_181 = tpu.memref_squeeze %dma_wait3A_180 : memref<1x!tpu.dma_semaphore, #tpu.memory_space<semaphore_mem>> -> memref<!tpu.dma_semaphore, #tpu.memory_space<semaphore_mem>>
    %dma_wait3A_182 = arith.constant 0 : i32
    %dma_wait3A_183 = arith.constant 0 : i32
    %dma_wait3A_184 = tpu.memref_slice %arg4[%mul3A_2, %dma_wait3A_182, %dma_wait3A_183] : memref<4096x50x128xf32, #tpu.memory_space<hbm>> -> memref<1x50x128xf32, #tpu.memory_space<hbm>>
    %dma_wait3A_185 = tpu.memref_squeeze %dma_wait3A_184 : memref<1x50x128xf32, #tpu.memory_space<hbm>> -> memref<50x128xf32, #tpu.memory_space<hbm>>
    %dma_wait3A_186 = arith.constant 0 : i32
    %dma_wait3A_187 = arith.constant 0 : i32
    %dma_wait3A_188 = tpu.memref_slice %arg6[%dma_wait3A_170, %dma_wait3A_186, %dma_wait3A_187] : memref<8x50x128xf32, #tpu.memory_space<vmem>> -> memref<1x50x128xf32, #tpu.memory_space<vmem>>
    %dma_wait3A_189 = tpu.memref_squeeze %dma_wait3A_188 : memref<1x50x128xf32, #tpu.memory_space<vmem>> -> memref<50x128xf32, #tpu.memory_space<vmem>>
    tpu.wait_dma2 semaphore(%dma_wait3A_181 : memref<!tpu.dma_semaphore, #tpu.memory_space<semaphore_mem>>) src(%dma_wait3A_189 : memref<50x128xf32, #tpu.memory_space<vmem>>) dst(%dma_wait3A_185 : memref<50x128xf32, #tpu.memory_space<hbm>>)
    %dma_wait3A_190 = arith.constant 4 : i32
    %dma_wait3A_191 = arith.constant 4 : i32
    %dma_wait3A_192 = arith.constant 0 : i32
    %dma_wait3A_193 = arith.constant 0 : i32
    %dma_wait3A_194 = tpu.memref_slice %arg6[%dma_wait3A_190, %dma_wait3A_192, %dma_wait3A_193] : memref<8x50x128xf32, #tpu.memory_space<vmem>> -> memref<1x50x128xf32, #tpu.memory_space<vmem>>
    %dma_wait3A_195 = tpu.memref_squeeze %dma_wait3A_194 : memref<1x50x128xf32, #tpu.memory_space<vmem>> -> memref<50x128xf32, #tpu.memory_space<vmem>>
    %dma_wait3A_196 = arith.constant 0 : i32
    %dma_wait3A_197 = arith.constant 0 : i32
    %dma_wait3A_198 = tpu.memref_slice %arg4[%mul3A_2, %dma_wait3A_196, %dma_wait3A_197] : memref<4096x50x128xf32, #tpu.memory_space<hbm>> -> memref<1x50x128xf32, #tpu.memory_space<hbm>>
    %dma_wait3A_199 = tpu.memref_squeeze %dma_wait3A_198 : memref<1x50x128xf32, #tpu.memory_space<hbm>> -> memref<50x128xf32, #tpu.memory_space<hbm>>
    %dma_wait3A_200 = tpu.memref_slice %arg8[%dma_wait3A_191] : memref<8x!tpu.dma_semaphore, #tpu.memory_space<semaphore_mem>> -> memref<1x!tpu.dma_semaphore, #tpu.memory_space<semaphore_mem>>
    %dma_wait3A_201 = tpu.memref_squeeze %dma_wait3A_200 : memref<1x!tpu.dma_semaphore, #tpu.memory_space<semaphore_mem>> -> memref<!tpu.dma_semaphore, #tpu.memory_space<semaphore_mem>>
    %dma_wait3A_202 = arith.constant 0 : i32
    %dma_wait3A_203 = arith.constant 0 : i32
    %dma_wait3A_204 = tpu.memref_slice %arg4[%mul3A_2, %dma_wait3A_202, %dma_wait3A_203] : memref<4096x50x128xf32, #tpu.memory_space<hbm>> -> memref<1x50x128xf32, #tpu.memory_space<hbm>>
    %dma_wait3A_205 = tpu.memref_squeeze %dma_wait3A_204 : memref<1x50x128xf32, #tpu.memory_space<hbm>> -> memref<50x128xf32, #tpu.memory_space<hbm>>
    %dma_wait3A_206 = arith.constant 0 : i32
    %dma_wait3A_207 = arith.constant 0 : i32
    %dma_wait3A_208 = tpu.memref_slice %arg6[%dma_wait3A_190, %dma_wait3A_206, %dma_wait3A_207] : memref<8x50x128xf32, #tpu.memory_space<vmem>> -> memref<1x50x128xf32, #tpu.memory_space<vmem>>
    %dma_wait3A_209 = tpu.memref_squeeze %dma_wait3A_208 : memref<1x50x128xf32, #tpu.memory_space<vmem>> -> memref<50x128xf32, #tpu.memory_space<vmem>>
    tpu.wait_dma2 semaphore(%dma_wait3A_201 : memref<!tpu.dma_semaphore, #tpu.memory_space<semaphore_mem>>) src(%dma_wait3A_209 : memref<50x128xf32, #tpu.memory_space<vmem>>) dst(%dma_wait3A_205 : memref<50x128xf32, #tpu.memory_space<hbm>>)
    %dma_wait3A_210 = arith.constant 5 : i32
    %dma_wait3A_211 = arith.constant 5 : i32
    %dma_wait3A_212 = arith.constant 0 : i32
    %dma_wait3A_213 = arith.constant 0 : i32
    %dma_wait3A_214 = tpu.memref_slice %arg6[%dma_wait3A_210, %dma_wait3A_212, %dma_wait3A_213] : memref<8x50x128xf32, #tpu.memory_space<vmem>> -> memref<1x50x128xf32, #tpu.memory_space<vmem>>
    %dma_wait3A_215 = tpu.memref_squeeze %dma_wait3A_214 : memref<1x50x128xf32, #tpu.memory_space<vmem>> -> memref<50x128xf32, #tpu.memory_space<vmem>>
    %dma_wait3A_216 = arith.constant 0 : i32
    %dma_wait3A_217 = arith.constant 0 : i32
    %dma_wait3A_218 = tpu.memref_slice %arg4[%mul3A_2, %dma_wait3A_216, %dma_wait3A_217] : memref<4096x50x128xf32, #tpu.memory_space<hbm>> -> memref<1x50x128xf32, #tpu.memory_space<hbm>>
    %dma_wait3A_219 = tpu.memref_squeeze %dma_wait3A_218 : memref<1x50x128xf32, #tpu.memory_space<hbm>> -> memref<50x128xf32, #tpu.memory_space<hbm>>
    %dma_wait3A_220 = tpu.memref_slice %arg8[%dma_wait3A_211] : memref<8x!tpu.dma_semaphore, #tpu.memory_space<semaphore_mem>> -> memref<1x!tpu.dma_semaphore, #tpu.memory_space<semaphore_mem>>
    %dma_wait3A_221 = tpu.memref_squeeze %dma_wait3A_220 : memref<1x!tpu.dma_semaphore, #tpu.memory_space<semaphore_mem>> -> memref<!tpu.dma_semaphore, #tpu.memory_space<semaphore_mem>>
    %dma_wait3A_222 = arith.constant 0 : i32
    %dma_wait3A_223 = arith.constant 0 : i32
    %dma_wait3A_224 = tpu.memref_slice %arg4[%mul3A_2, %dma_wait3A_222, %dma_wait3A_223] : memref<4096x50x128xf32, #tpu.memory_space<hbm>> -> memref<1x50x128xf32, #tpu.memory_space<hbm>>
    %dma_wait3A_225 = tpu.memref_squeeze %dma_wait3A_224 : memref<1x50x128xf32, #tpu.memory_space<hbm>> -> memref<50x128xf32, #tpu.memory_space<hbm>>
    %dma_wait3A_226 = arith.constant 0 : i32
    %dma_wait3A_227 = arith.constant 0 : i32
    %dma_wait3A_228 = tpu.memref_slice %arg6[%dma_wait3A_210, %dma_wait3A_226, %dma_wait3A_227] : memref<8x50x128xf32, #tpu.memory_space<vmem>> -> memref<1x50x128xf32, #tpu.memory_space<vmem>>
    %dma_wait3A_229 = tpu.memref_squeeze %dma_wait3A_228 : memref<1x50x128xf32, #tpu.memory_space<vmem>> -> memref<50x128xf32, #tpu.memory_space<vmem>>
    tpu.wait_dma2 semaphore(%dma_wait3A_221 : memref<!tpu.dma_semaphore, #tpu.memory_space<semaphore_mem>>) src(%dma_wait3A_229 : memref<50x128xf32, #tpu.memory_space<vmem>>) dst(%dma_wait3A_225 : memref<50x128xf32, #tpu.memory_space<hbm>>)
    %dma_wait3A_230 = arith.constant 6 : i32
    %dma_wait3A_231 = arith.constant 6 : i32
    %dma_wait3A_232 = arith.constant 0 : i32
    %dma_wait3A_233 = arith.constant 0 : i32
    %dma_wait3A_234 = tpu.memref_slice %arg6[%dma_wait3A_230, %dma_wait3A_232, %dma_wait3A_233] : memref<8x50x128xf32, #tpu.memory_space<vmem>> -> memref<1x50x128xf32, #tpu.memory_space<vmem>>
    %dma_wait3A_235 = tpu.memref_squeeze %dma_wait3A_234 : memref<1x50x128xf32, #tpu.memory_space<vmem>> -> memref<50x128xf32, #tpu.memory_space<vmem>>
    %dma_wait3A_236 = arith.constant 0 : i32
    %dma_wait3A_237 = arith.constant 0 : i32
    %dma_wait3A_238 = tpu.memref_slice %arg4[%mul3A_2, %dma_wait3A_236, %dma_wait3A_237] : memref<4096x50x128xf32, #tpu.memory_space<hbm>> -> memref<1x50x128xf32, #tpu.memory_space<hbm>>
    %dma_wait3A_239 = tpu.memref_squeeze %dma_wait3A_238 : memref<1x50x128xf32, #tpu.memory_space<hbm>> -> memref<50x128xf32, #tpu.memory_space<hbm>>
    %dma_wait3A_240 = tpu.memref_slice %arg8[%dma_wait3A_231] : memref<8x!tpu.dma_semaphore, #tpu.memory_space<semaphore_mem>> -> memref<1x!tpu.dma_semaphore, #tpu.memory_space<semaphore_mem>>
    %dma_wait3A_241 = tpu.memref_squeeze %dma_wait3A_240 : memref<1x!tpu.dma_semaphore, #tpu.memory_space<semaphore_mem>> -> memref<!tpu.dma_semaphore, #tpu.memory_space<semaphore_mem>>
    %dma_wait3A_242 = arith.constant 0 : i32
    %dma_wait3A_243 = arith.constant 0 : i32
    %dma_wait3A_244 = tpu.memref_slice %arg4[%mul3A_2, %dma_wait3A_242, %dma_wait3A_243] : memref<4096x50x128xf32, #tpu.memory_space<hbm>> -> memref<1x50x128xf32, #tpu.memory_space<hbm>>
    %dma_wait3A_245 = tpu.memref_squeeze %dma_wait3A_244 : memref<1x50x128xf32, #tpu.memory_space<hbm>> -> memref<50x128xf32, #tpu.memory_space<hbm>>
    %dma_wait3A_246 = arith.constant 0 : i32
    %dma_wait3A_247 = arith.constant 0 : i32
    %dma_wait3A_248 = tpu.memref_slice %arg6[%dma_wait3A_230, %dma_wait3A_246, %dma_wait3A_247] : memref<8x50x128xf32, #tpu.memory_space<vmem>> -> memref<1x50x128xf32, #tpu.memory_space<vmem>>
    %dma_wait3A_249 = tpu.memref_squeeze %dma_wait3A_248 : memref<1x50x128xf32, #tpu.memory_space<vmem>> -> memref<50x128xf32, #tpu.memory_space<vmem>>
    tpu.wait_dma2 semaphore(%dma_wait3A_241 : memref<!tpu.dma_semaphore, #tpu.memory_space<semaphore_mem>>) src(%dma_wait3A_249 : memref<50x128xf32, #tpu.memory_space<vmem>>) dst(%dma_wait3A_245 : memref<50x128xf32, #tpu.memory_space<hbm>>)
    %dma_wait3A_250 = arith.constant 7 : i32
    %dma_wait3A_251 = arith.constant 7 : i32
    %dma_wait3A_252 = arith.constant 0 : i32
    %dma_wait3A_253 = arith.constant 0 : i32
    %dma_wait3A_254 = tpu.memref_slice %arg6[%dma_wait3A_250, %dma_wait3A_252, %dma_wait3A_253] : memref<8x50x128xf32, #tpu.memory_space<vmem>> -> memref<1x50x128xf32, #tpu.memory_space<vmem>>
    %dma_wait3A_255 = tpu.memref_squeeze %dma_wait3A_254 : memref<1x50x128xf32, #tpu.memory_space<vmem>> -> memref<50x128xf32, #tpu.memory_space<vmem>>
    %dma_wait3A_256 = arith.constant 0 : i32
    %dma_wait3A_257 = arith.constant 0 : i32
    %dma_wait3A_258 = tpu.memref_slice %arg4[%mul3A_2, %dma_wait3A_256, %dma_wait3A_257] : memref<4096x50x128xf32, #tpu.memory_space<hbm>> -> memref<1x50x128xf32, #tpu.memory_space<hbm>>
    %dma_wait3A_259 = tpu.memref_squeeze %dma_wait3A_258 : memref<1x50x128xf32, #tpu.memory_space<hbm>> -> memref<50x128xf32, #tpu.memory_space<hbm>>
    %dma_wait3A_260 = tpu.memref_slice %arg8[%dma_wait3A_251] : memref<8x!tpu.dma_semaphore, #tpu.memory_space<semaphore_mem>> -> memref<1x!tpu.dma_semaphore, #tpu.memory_space<semaphore_mem>>
    %dma_wait3A_261 = tpu.memref_squeeze %dma_wait3A_260 : memref<1x!tpu.dma_semaphore, #tpu.memory_space<semaphore_mem>> -> memref<!tpu.dma_semaphore, #tpu.memory_space<semaphore_mem>>
    %dma_wait3A_262 = arith.constant 0 : i32
    %dma_wait3A_263 = arith.constant 0 : i32
    %dma_wait3A_264 = tpu.memref_slice %arg4[%mul3A_2, %dma_wait3A_262, %dma_wait3A_263] : memref<4096x50x128xf32, #tpu.memory_space<hbm>> -> memref<1x50x128xf32, #tpu.memory_space<hbm>>
    %dma_wait3A_265 = tpu.memref_squeeze %dma_wait3A_264 : memref<1x50x128xf32, #tpu.memory_space<hbm>> -> memref<50x128xf32, #tpu.memory_space<hbm>>
    %dma_wait3A_266 = arith.constant 0 : i32
    %dma_wait3A_267 = arith.constant 0 : i32
    %dma_wait3A_268 = tpu.memref_slice %arg6[%dma_wait3A_250, %dma_wait3A_266, %dma_wait3A_267] : memref<8x50x128xf32, #tpu.memory_space<vmem>> -> memref<1x50x128xf32, #tpu.memory_space<vmem>>
    %dma_wait3A_269 = tpu.memref_squeeze %dma_wait3A_268 : memref<1x50x128xf32, #tpu.memory_space<vmem>> -> memref<50x128xf32, #tpu.memory_space<vmem>>
    tpu.wait_dma2 semaphore(%dma_wait3A_261 : memref<!tpu.dma_semaphore, #tpu.memory_space<semaphore_mem>>) src(%dma_wait3A_269 : memref<50x128xf32, #tpu.memory_space<vmem>>) dst(%dma_wait3A_265 : memref<50x128xf32, #tpu.memory_space<hbm>>)
    return
  }
}

</mosaic_0001>

<sc_bundles>
// kernel: kernel.3.cloned.1.call-start
scs
__scs_entry_jumppad:
0x0: {  	(pc) =	sbr.rel $0x88, $3  }
0x1: {  	(tag) =	ssettag $0x0;
	lr =	simm.s32 $0x1  }
0x2: {  	[smem:$0x3F9F] =	sst lr;
	_ =	strace $0xD0000000  }
0x3: {  	_ = 	snop  }
0x4: {  	_ = 	snop  }
0x5: {  	_ = 	snop  }
0x6: {  	_ = 	snop  }
0x7: {  	_ = 	snop  }
__scs_overlays_trampoline_lowered:
0x8: {  	[smem:$0x3FAE] =	sst s0  }
0x9: {  	[smem:$0x3FAF] =	sst s1  }
0xa: {  	[smem:$0x3FB0] =	sst s2  }
0xb: {  	[smem:$0x3FB1] =	sst s3  }
0xc: {  	[smem:$0x3FB2] =	sst s4  }
0xd: {  	[smem:$0x3FB3] =	sst s5  }
0xe: {  	[smem:$0x3FB4] =	sst s6  }
0xf: {  	[smem:$0x3FB5] =	sst s7  }
0x10: {  	[smem:$0x3FB6] =	sst s8  }
0x11: {  	[smem:$0x3FB7] =	sst s9;
	s0 =	simm.s32 @!p0 $0x0  }
0x12: {  	s1 =	sld [smem:$0x3F9D];
	s0 =	simm.s32 @p0 $0x1  }
0x13: {  	[smem:$0x3FB8] =	sst s0;
	s0 =	simm.s32 @!p1 $0x0  }
0x14: {  	s2 =	sld [smem:$0x3F9C];
	s0 =	simm.s32 @p1 $0x1  }
0x15: {  	[smem:$0x3FB9] =	sst s0;
	s0 =	simm.s32 @!p2 $0x0  }
0x16: {  	s3 =	sld [smem:$0x3FDB];
	s0 =	simm.s32 @p2 $0x1  }
0x17: {  	s4 =	simm.s32 $0x1BF5;
	[smem:$0x3FBB] =	sst s0  }
0x18: {  	s0 =	sld [smem:$0x3F9E];
	_ =	swait.ge [sflag:s4], $0x0  }
0x19: {  	s7 =	sld [smem:$0x3F9F]  }
0x1a: {  	s8 =	sadd.s32 $0xFFFFE003, lr  }
0x1b: {  	s9 =	sadd.s32 $0xFFFFFEF7, lr;
	s5 =	simm.s32 $0xFFFFFFFF;
	p2 =	slt.u32 s8, $0xFFFFF086  }
0x1c: {  	p1 =	slt.u32 s9, $0xF7A;
	s5 =	simm.s32 @!p2 $0x0  }
0x1d: {  	s5 =	simm.s32 @p1 $0x1;
	p0 =	seq.s32 s7, s2  }
0x1e: {  	s7 =	smul.u32 @!p0 $0xF7A, s2;
	p2 =	seq.s32 @!p0 s5, $0x0  }
0x1f: {  	s9 =	smul.u32 $0xF7A, s1;
	s8 =	simm.s32 @!p0 $0x1BF5;
	p2 =	por !p2, p0  }
0x20: {  	[sflag:s8] =	ssyncset.s32 @!p0 $0xFFFFF086;
	s6 =	sadd.s32 @!p0 s3, s7;
	s7 =	simm.s32 @!p0 $0x108  }
0x21: {  	s3 =	sadd.s32 s3, s9;
	s6 =	sadd.s32 @!p0 $0x88, s6;
	s7 =	simm.s32 @p2 $0x1082  }
0x22: {  	[simem:s7], [sflag:s8] =	dma.local @!p0 [hbm:s6], $0xF7A  }
0x23: {  	s9 =	sor.u32 $0xD0000000, s2;
	s6 =	simm.s32 $0x108;
	_ =	swait.ge @!p0 [sflag:s8], $0x0  }
0x24: {  	s3 =	sadd.s32 $0x88, s3;
	s6 =	simm.s32 @!p1 $0x1082;
	[sflag:s4] =	ssyncset.s32 $0xFFFFF086  }
0x25: {  	[simem:s6], [sflag:s4] =	dma.local [hbm:s3], $0xF7A  }
0x26: {  	[smem:$0x3F9F] =	sst s1;
	(tag) =	ssettag s2;
	_ =	strace s9  }
0x27: {  	s1 =	sld [smem:$0x3FAF]  }
0x28: {  	s2 =	sld [smem:$0x3FB0]  }
0x29: {  	s4 =	sld [smem:$0x3FB2]  }
0x2a: {  	p0 =	seq.s32 s5, $0x0;
	s5 =	sld [smem:$0x3FB3]  }
0x2b: {  	s6 =	sld [smem:$0x3FB4]  }
0x2c: {  	s7 =	sld [smem:$0x3FB5]  }
0x2d: {  	s3 =	simm.s32 $0x108;
	s8 =	sld [smem:$0x3FB6]  }
0x2e: {  	s3 =	simm.s32 @!p0 $0x1082;
	s9 =	sld [smem:$0x3FB7]  }
0x2f: {  	lr =	sadd.s32 s0, s3;
	s0 =	sld [smem:$0x3FAE]  }
0x30: {  	s3 =	sld [smem:$0x3FB1]  }
0x31: {  	[smem:$0x3FBA] =	sst s10  }
0x32: {  	s10 =	sld [smem:$0x3FB8];
	_ =	sdelay $0x3  }
0x33: {  	p0 =	seq.s32 s10, $0x1;
	s10 =	sld [smem:$0x3FBA];
	_ =	sdelay $0x3  }
0x34: {  	[smem:$0x3FBA] =	sst s10  }
0x35: {  	s10 =	sld [smem:$0x3FB9];
	_ =	sdelay $0x3  }
0x36: {  	p1 =	seq.s32 s10, $0x1;
	s10 =	sld [smem:$0x3FBA];
	_ =	sdelay $0x3  }
0x37: {  	[smem:$0x3FBA] =	sst s10  }
0x38: {  	s10 =	sld [smem:$0x3FBB]  }
0x39: {  	_ = 	snop;
	(pc) =	sbr.ind lr, $3  }
0x3a: {  	_ = 	snop  }
0x3b: {  	_ = 	snop  }
0x3c: {  	p2 =	seq.s32 s10, $0x1;
	s10 =	sld [smem:$0x3FBA]  }
0x3d: {  	_ =	shalt  }
0x3e: {  	_ =	shalt  }
0x3f: {  	_ =	shalt  }
0x40: {  	_ =	shalt  }
0x41: {  	_ =	shalt  }
0x42: {  	_ =	shalt  }
0x43: {  	_ =	shalt  }
0x44: {  	_ =	shalt  }
0x45: {  	_ =	shalt  }
0x46: {  	_ =	shalt  }
0x47: {  	_ =	shalt  }
0x48: {  	_ =	shalt  }
0x49: {  	_ =	shalt  }
0x4a: {  	_ =	shalt  }
0x4b: {  	_ =	shalt  }
0x4c: {  	_ =	shalt  }
0x4d: {  	_ =	shalt  }
0x4e: {  	_ =	shalt  }
0x4f: {  	_ =	shalt  }
0x50: {  	_ =	shalt  }
0x51: {  	_ =	shalt  }
0x52: {  	_ =	shalt  }
0x53: {  	_ =	shalt  }
0x54: {  	_ =	shalt  }
0x55: {  	_ =	shalt  }
0x56: {  	_ =	shalt  }
0x57: {  	_ =	shalt  }
0x58: {  	_ =	shalt  }
0x59: {  	_ =	shalt  }
0x5a: {  	_ =	shalt  }
0x5b: {  	_ =	shalt  }
0x5c: {  	_ =	shalt  }
0x5d: {  	_ =	shalt  }
0x5e: {  	_ =	shalt  }
0x5f: {  	_ =	shalt  }
0x60: {  	_ =	shalt  }
0x61: {  	_ =	shalt  }
0x62: {  	_ =	shalt  }
0x63: {  	_ =	shalt  }
0x64: {  	_ =	shalt  }
0x65: {  	_ =	shalt  }
0x66: {  	_ =	shalt  }
0x67: {  	_ =	shalt  }
0x68: {  	_ =	shalt  }
0x69: {  	_ =	shalt  }
0x6a: {  	_ =	shalt  }
0x6b: {  	_ =	shalt  }
0x6c: {  	_ =	shalt  }
0x6d: {  	_ =	shalt  }
0x6e: {  	_ =	shalt  }
0x6f: {  	_ =	shalt  }
0x70: {  	_ =	shalt  }
0x71: {  	_ =	shalt  }
0x72: {  	_ =	shalt  }
0x73: {  	_ =	shalt  }
0x74: {  	_ =	shalt  }
0x75: {  	_ =	shalt  }
0x76: {  	_ =	shalt  }
0x77: {  	_ =	shalt  }
0x78: {  	_ =	shalt  }
0x79: {  	_ =	shalt  }
0x7a: {  	_ =	shalt  }
0x7b: {  	_ =	shalt  }
0x7c: {  	_ =	shalt  }
0x7d: {  	_ =	shalt  }
0x7e: {  	_ =	shalt  }
0x7f: {  	_ =	shalt  }
0x80: {  	_ =	shalt  }
0x81: {  	_ =	shalt  }
0x82: {  	_ =	shalt  }
0x83: {  	_ =	shalt  }
0x84: {  	_ =	shalt  }
0x85: {  	_ =	shalt  }
0x86: {  	_ =	shalt  }
0x87: {  	_ =	shalt  }
.Lfunc_end0:
.L_simem_size_0:
called_computation_lowered:
.L_overlay_start_0:
0x88: {  	s2 =	sld [smem:$0x3FD9]  }
0x89: {  	s3 =	sld [smem:$0x3FFE];
	_ =	sdelay $0x1  }
0x8a: {  	s1 =	srdreg.scid  }
0x8b: {  	s0 =	sand.u32 $0x1, s1  }
0x8c: {  	s17 =	sshll.u32 s0, $0xA;
	s2 =	sadd.s32 s3, s2  }
0x8d: {  	s2 =	sadd.s32 s2, s17  }
0x8e: {  	[smem:$0x3FC6] =	sst s2  }
0x8f: {  	_ = 	snop  }
0x90: {  	s2 =	sld [smem:$0x3FC8]  }
0x91: {  	s18 =	sld [smem:$0x3FD0];
	(tm) =	ssettm $0x1  }
0x92: {  	s4 =	sld [smem:$0x3FFB];
	_ =	sdelay $0x3  }
0x93: {  	_ =	strace s4  }
0x94: {  	s4 =	sld [smem:$0x3FFC];
	_ =	sdelay $0x3  }
0x95: {  	_ =	strace s4  }
0x96: {  	s4 =	sld [smem:$0x3FFD];
	_ =	sdelay $0x3  }
0x97: {  	_ =	strace s4  }
0x98: {  	_ =	strace $0x8FFFFFFF  }
0x99: {  	s19 =	sld [smem:$0x3FDB];
	_ =	sdelay $0x1  }
0x9a: {  	s5 =	simm.s32 $_scs_section_size  }
0x9b: {  	s6 =	simm.s32 $_size__tile_overlayer_lowered;
	s7 =	simm.s32 $_tile_overlayer_lowered  }
0x9c: {  	s22 =	simm.s32 $0x1BFF;
	s21 =	sshll.u32 s7, $0x1;
	s4 =	sadd.s32 s5, s19  }
0x9d: {  	s8 =	simm.s32 $0x0;
	s20 =	sshll.u32 s6, $0x1;
	s6 =	sadd.s32 s21, s4  }
0x9e: {  	[timem:s8], [sflag:s22] =	dma.local [hbm:s6], s20  }
0x9f: {  	_ =	swait.ge [sflag:s22], s20  }
0xa0: {  	s5 =	ssub.s32 $0x0, s20;
	[sflag:s22] =	ssyncset.done $0x0  }
0xa1: {  	[sflag:s22] =	ssyncadd.s32 s5;
	_ =	sdelay $0x1  }
0xa2: {  	s23 =	simm.s32 $0x1B8B  }
0xa3: {  	_ =	swait.ge [sflag:s23], $0x1  }
0xa4: {  	[sflag:s23] =	ssyncset.done $0x0  }
0xa5: {  	s25 =	simm.s32 $0x1B8E;
	s24 =	sld [smem:$0x3FFE];
	[sflag:s23] =	ssyncadd.s32 $0xFFFFFFFF  }
0xa6: {  	s26 =	simm.s32 $execute0_lowered;
	[smem:$0x3FD2] =	sst s25  }
0xa7: {  	s6 =	sshll.u32 s26, $0x1;
	_ =	strace $0x80000046;
	[dreg:$0x1] =	wrdreg $0xFFFFFFFF  }
0xa8: {  	s28 =	simm.s32 $_size_execute0_lowered;
	s4 =	sadd.s32 s4, s6;
	[dreg:$0x0] =	wrdreg $0x0  }
0xa9: {  	s6 =	sshll.u32 s28, $0x1;
	[dreg:$0x2] =	wrdreg s4  }
0xaa: {  	[dreg:$0x3] =	wrdreg s6  }
0xab: {  	[dreg:$0x4] =	wrdreg $0xC0  }
0xac: {  	_ =	task [dreg:s8], $0x5FFFF  }
0xad: {  	[dreg:$0x1] =	wrdreg $0xFFFFFFFF  }
0xae: {  	[dreg:$0x0] =	wrdreg $0x60  }
0xaf: {  	[dreg:$0x2] =	wrdreg s2  }
0xb0: {  	[dreg:$0x3] =	wrdreg s18  }
0xb1: {  	[dreg:$0x4] =	wrdreg s24  }
0xb2: {  	[dreg:$0x5] =	wrdreg $0x9  }
0xb3: {  	_ =	task.clear_ibuf [dreg:s8], $0x6FFFF;
	_ =	strace $0x90000046  }
0xb4: {  	s29 =	simm.s32 $0x9;
	_ =	strace $0x80000048  }
0xb5: {  	_ =	swait.ge [sflag:s29], $0x1  }
0xb6: {  	[sflag:s29] =	ssyncadd.s32 $0xFFFFFFFF  }
0xb7: {  	_ =	strace $0x90000048  }
0xb8: {  	_ =	sfence  }
0xb9: {  	s30 =	sld [smem:$0x0];
	_ =	sdelay $0x2  }
0xba: {  	s31 =	sshll.u32 s1, $0xD;
	s1 =	sshrl.u32 s1, $0x2  }
0xbb: {  	s3 =	sand.u32 $0x4000, s31;
	s1 =	sadd.s32 s1, s30  }
0xbc: {  	s0 =	sor.u32 s3, s0;
	s1 =	sshll.u32 s1, $0x11  }
0xbd: {  	s0 =	sor.u32 s1, s0  }
0xbe: {  	s0 =	sadd.s32 $0x8F2B, s0  }
0xbf: {  	[sflag:s0] =	ssyncadd.remote.s32 $0x1  }
0xc0: {  	_ =	sfence.sel $0xFFFF  }
0xc1: {  	[dreg:$0x0] =	wrdreg $0xFFFFFFFF;
	(pc) =	sbr.abs _section_cstart, $3  }
0xc2: {  	[dreg:$0x1] =	wrdreg $0xFFFFFFFF  }
0xc3: {  	_ =	task.clear_ibuf [dreg:s8], $0x2FFFF;
	_ =	strace $0x9FFFFFFF  }
0xc4: {  	(tm) =	ssettm $0x7FFFFFFF  }
0xc5: {  	_ =	shalt  }
tec
execute0_lowered:
.L_overlay_start_1:
0x0: {  	(tag) =	ssettag $0x1  }
0x1: {  	s1 =	rddreg [dreg:$0x0]  }
0x2: {  	s0 =	rddreg [dreg:$0x1]  }
0x3: {  	s2 =	rddreg [dreg:$0x2];
	s4 =	srdreg.scid  }
0x4: {  	s9 =	stileid.u32;
	s3 =	simm.s32 $0x0;
	s10 =	simm.s32 $0x4000  }
0x5: {  	s12 =	simm.s32 $0x5C00;
	s14 =	simm.s32 $0x7800;
	s16 =	simm.s32 $0x9400  }
0x6: {  	s18 =	simm.s32 $0xB000;
	s20 =	simm.s32 $0xCC00;
	s22 =	simm.s32 $0xE800  }
0x7: {  	s23 =	simm.s32 $0x1;
	s28 =	simm.s32 $0x4;
	s29 =	simm.s32 $0x5  }
0x8: {  	s30 =	simm.s32 $0x6;
	s31 =	simm.s32 $0x7;
	s17 =	simm.s32 $0xD  }
0x9: {  	s19 =	simm.s32 $0xE;
	s21 =	simm.s32 $0xF;
	s4 =	sand.u32 $0x1, s4  }
0xa: {  	s5 =	sshll.u32 s9, $0x1;
	[smem:$0x7FF] =	sst s3;
	s2 =	sadd.s32 $0x400, s2  }
0xb: {  	s9 =	smul.u32 $0x38000, s9;
	s5 =	sor.u32 s4, s5;
	_ =	strace $0x80000047  }
0xc: {  	s6 =	ssub.s32 $0x2, s4;
	s7 =	smul.u32 $0x1C000, s5;
	s5 =	sshll.u32 s5, $0xB  }
0xd: {  	s4 =	smul.u32 $0x1C000, s4;
	s8 =	sshrl.u32 s6, $0x1;
	s0 =	sadd.s32 s0, s5  }
0xe: {  	s6 =	ssub.s32 s6, s8;
	s5 =	simm.s32 $0x0;
	[dreg:$0x4] =	wrdreg s0  }
.Ltmp0:
0xf: {  	s24 =	sadd.s32 s2, s7;
	s25 =	smax.u32 s6, $0x1;
	(pc) =	sbr.rel .LBB2_1-.Ltmp0, $4  }
0x10: {  	s2 =	sadd.s32 s9, s2;
	s9 =	simm.s32 $0x32;
	[dreg:$0x5] =	wrdreg s25  }
0x11: {  	s0 =	sadd.s32 $0x1BC80, s24;
	s26 =	sadd.s32 s4, s2;
	s24 =	simm.s32 $0x10400  }
0x12: {  	s25 =	simm.s32 $0x2;
	s4 =	simm.s32 $0x10;
	[dreg:$0x6] =	wrdreg s0  }
0x13: {  	[dreg:$0x7] =	wrdreg s26;
	s26 =	simm.s32 $0x3;
	s0 =	simm.s32 $0x8  }
.LBB2_4:
0x14: {  	_ =	swait.ge [sflag:s0], $0x1900  }
0x15: {  	[sflag:s0] =	ssyncset.done $0x0  }
0x16: {  	s7 =	simm.s32 $0x9;
	s2 =	rddreg [dreg:$0x6];
	[sflag:s0] =	ssyncadd.s32 $0xFFFFE700  }
0x17: {  	[hbm4b:s2+s3] =	stream.linear.scatter [tilespmem:s24], [sflag:$0x10], $0x1900, $0x38;
	[tilespmem:$0x12000] =	vst v63  }
0x18: {  	_ =	swait.ge [sflag:s7], $0x1900  }
0x19: {  	[sflag:s7] =	ssyncset.done $0x0  }
0x1a: {  	s8 =	simm.s32 $0xA;
	[sflag:s7] =	ssyncadd.s32 $0xFFFFE700  }
0x1b: {  	_ =	swait.ge [sflag:s8], $0x1900  }
0x1c: {  	[sflag:s8] =	ssyncset.done $0x0  }
0x1d: {  	s11 =	simm.s32 $0xB;
	[sflag:s8] =	ssyncadd.s32 $0xFFFFE700  }
0x1e: {  	_ =	swait.ge [sflag:s11], $0x1900  }
0x1f: {  	[sflag:s11] =	ssyncset.done $0x0  }
0x20: {  	s13 =	simm.s32 $0xC;
	[sflag:s11] =	ssyncadd.s32 $0xFFFFE700  }
0x21: {  	_ =	swait.ge [sflag:s13], $0x1900  }
0x22: {  	[sflag:s13] =	ssyncset.done $0x0  }
0x23: {  	[sflag:s13] =	ssyncadd.s32 $0xFFFFE700  }
0x24: {  	_ =	swait.ge [sflag:s17], $0x1900  }
0x25: {  	[sflag:s17] =	ssyncset.done $0x0  }
0x26: {  	[sflag:s17] =	ssyncadd.s32 $0xFFFFE700  }
0x27: {  	_ =	swait.ge [sflag:s19], $0x1900  }
0x28: {  	[sflag:s19] =	ssyncset.done $0x0  }
0x29: {  	[sflag:s19] =	ssyncadd.s32 $0xFFFFE700  }
0x2a: {  	_ =	swait.ge [sflag:s21], $0x1900  }
0x2b: {  	[sflag:s21] =	ssyncset.done $0x0  }
0x2c: {  	[sflag:s21] =	ssyncadd.s32 $0xFFFFE700  }
0x2d: {  	_ =	swait.ge [sflag:s4], $0x1900  }
0x2e: {  	s5 =	sadd.s32 $0x1, s5;
	s15 =	rddreg [dreg:$0x5]  }
0x2f: {  	p0 =	sne.s32 s5, s15  }
.Ltmp1:
0x30: {  	_ = 	snop;
	(pc) =	sbr.rel @!p0 .LBB2_5-.Ltmp1, $3  }
0x31: {  	_ =	sdelay $0x1  }
0x32: {  	[sflag:s4] =	ssyncset.done $0x0  }
0x33: {  	[sflag:s4] =	ssyncadd.s32 $0xFFFFE700  }
.LBB2_1:
0x34: {  	s2 =	rddreg [dreg:$0x4];
	s15 =	simm.s32 $0x11  }
0x35: {  	[tilespmem:s3], [sflag:$0x11] =	stream.linear.gather [hbm4b:s2+s3], $0x4000, $0x38;
	[tilespmem:$0x12000] =	vst v63  }
0x36: {  	_ =	swait.ge [sflag:s15], $0x4000  }
0x37: {  	[sflag:s15] =	ssyncset.done $0x0  }
0x38: {  	[sflag:s15] =	ssyncadd.s32 $0xFFFFC000  }
0x39: {  	[tilespmem:s10], [sflag:$0x1] =	stream.indirect.gather [hbm4b:s1+s9], $0x80, s3, s9, $0xb8;
	[tilespmem:$0x12000] =	vst v63  }
0x3a: {  	s6 =	simm.s32 $0x80  }
0x3b: {  	[tilespmem:s12], [sflag:$0x2] =	stream.indirect.gather [hbm4b:s1+s9], $0x80, s6, s9, $0xb8;
	[tilespmem:$0x12000] =	vst v63  }
0x3c: {  	s7 =	simm.s32 $0x100  }
0x3d: {  	[tilespmem:s14], [sflag:$0x3] =	stream.indirect.gather [hbm4b:s1+s9], $0x80, s7, s9, $0xb8;
	[tilespmem:$0x12000] =	vst v63  }
0x3e: {  	s8 =	simm.s32 $0x180  }
0x3f: {  	[tilespmem:s16], [sflag:$0x4] =	stream.indirect.gather [hbm4b:s1+s9], $0x80, s8, s9, $0xb8;
	[tilespmem:$0x12000] =	vst v63  }
0x40: {  	s11 =	simm.s32 $0x200  }
0x41: {  	[tilespmem:s18], [sflag:$0x5] =	stream.indirect.gather [hbm4b:s1+s9], $0x80, s11, s9, $0xb8;
	[tilespmem:$0x12000] =	vst v63  }
0x42: {  	s13 =	simm.s32 $0x280  }
0x43: {  	[tilespmem:s20], [sflag:$0x6] =	stream.indirect.gather [hbm4b:s1+s9], $0x80, s13, s9, $0xb8;
	[tilespmem:$0x12000] =	vst v63  }
0x44: {  	s15 =	simm.s32 $0x300;
	s6 =	simm.s32 $0x0;
	s7 =	rddreg [dreg:$0x7]  }
0x45: {  	[tilespmem:s22], [sflag:$0x7] =	stream.indirect.gather [hbm4b:s1+s9], $0x80, s15, s9, $0xb8;
	[tilespmem:$0x12000] =	vst v63  }
.LBB2_2:
0x46: {  	_ =	swait.ge [sflag:s23], $0x1900  }
0x47: {  	p0 =	seq.s32 s6, $0x0;
	[sflag:s23] =	ssyncset.done $0x0  }
0x48: {  	s2 =	simm.s32 @!p0 $0x10;
	[sflag:s23] =	ssyncadd.s32 $0xFFFFE700  }
0x49: {  	[hbm4b:s7+s3] =	stream.linear.scatter [tilespmem:s10], [sflag:$0x9], $0x1900, $0x38;
	[tilespmem:$0x12000] =	vst v63  }
0x4a: {  	_ =	swait.ge @!p0 [sflag:s2], $0x1900  }
0x4b: {  	s8 =	sshra.s32 s6, $0x2;
	[sflag:s2] =	ssyncset.done @!p0 $0x0  }
0x4c: {  	s11 =	sadd.s32 $0x380, s8;
	[sflag:s2] =	ssyncadd.s32 @!p0 $0xFFFFE700  }
0x4d: {  	[tilespmem:s24], [sflag:$0x8] =	stream.indirect.gather [hbm4b:s1+s9], $0x80, s11, s9, $0xb8;
	[tilespmem:$0x12000] =	vst v63  }
0x4e: {  	_ =	swait.ge [sflag:s25], $0x1900  }
0x4f: {  	p0 =	seq.s32 s6, $0xF000;
	[sflag:s25] =	ssyncset.done $0x0  }
0x50: {  	s13 =	sadd.s32 $0x380, s7;
	s2 =	simm.s32 @!p0 $0x9;
	[sflag:s25] =	ssyncadd.s32 $0xFFFFE700  }
0x51: {  	[hbm4b:s13+s3] =	stream.linear.scatter [tilespmem:s12], [sflag:$0xA], $0x1900, $0x38;
	[tilespmem:$0x12000] =	vst v63  }
0x52: {  	_ =	swait.ge @!p0 [sflag:s2], $0x1900  }
0x53: {  	[sflag:s2] =	ssyncset.done @!p0 $0x0  }
0x54: {  	[sflag:s2] =	ssyncadd.s32 @!p0 $0xFFFFE700;
	s2 =	sshra.s32 @!p0 s6, $0x2  }
0x55: {  	s15 =	simm.s32 @!p0 $0x4000;
	s13 =	simm.s32 @!p0 $0x32;
	s11 =	sadd.s32 @!p0 $0x400, s2  }
0x56: {  	[tilespmem:s15], [sflag:$0x1] =	stream.indirect.gather @!p0 [hbm4b:s1+s13], $0x80, s11, s13, $0xb8;
	[tilespmem:$0x12000] =	vst v63  }
0x57: {  	_ =	swait.ge [sflag:s26], $0x1900  }
0x58: {  	[sflag:s26] =	ssyncset.done $0x0  }
0x59: {  	s15 =	sadd.s32 $0x700, s7;
	s11 =	simm.s32 @!p0 $0xA;
	[sflag:s26] =	ssyncadd.s32 $0xFFFFE700  }
0x5a: {  	[hbm4b:s15+s3] =	stream.linear.scatter [tilespmem:s14], [sflag:$0xB], $0x1900, $0x38;
	[tilespmem:$0x12000] =	vst v63  }
0x5b: {  	_ =	swait.ge @!p0 [sflag:s11], $0x1900  }
0x5c: {  	[sflag:s11] =	ssyncset.done @!p0 $0x0  }
0x5d: {  	s15 =	simm.s32 @!p0 $0x5C00;
	[sflag:s11] =	ssyncadd.s32 @!p0 $0xFFFFE700;
	s11 =	sadd.s32 @!p0 $0x480, s2  }
0x5e: {  	[tilespmem:s15], [sflag:$0x2] =	stream.indirect.gather @!p0 [hbm4b:s1+s13], $0x80, s11, s13, $0xb8;
	[tilespmem:$0x12000] =	vst v63  }
0x5f: {  	_ =	swait.ge [sflag:s28], $0x1900  }
0x60: {  	[sflag:s28] =	ssyncset.done $0x0  }
0x61: {  	s15 =	sadd.s32 $0xA80, s7;
	s11 =	simm.s32 @!p0 $0xB;
	[sflag:s28] =	ssyncadd.s32 $0xFFFFE700  }
0x62: {  	[hbm4b:s15+s3] =	stream.linear.scatter [tilespmem:s16], [sflag:$0xC], $0x1900, $0x38;
	[tilespmem:$0x12000] =	vst v63  }
0x63: {  	_ =	swait.ge @!p0 [sflag:s11], $0x1900  }
0x64: {  	[sflag:s11] =	ssyncset.done @!p0 $0x0  }
0x65: {  	s15 =	simm.s32 @!p0 $0x7800;
	[sflag:s11] =	ssyncadd.s32 @!p0 $0xFFFFE700;
	s11 =	sadd.s32 @!p0 $0x500, s2  }
0x66: {  	[tilespmem:s15], [sflag:$0x3] =	stream.indirect.gather @!p0 [hbm4b:s1+s13], $0x80, s11, s13, $0xb8;
	[tilespmem:$0x12000] =	vst v63  }
0x67: {  	_ =	swait.ge [sflag:s29], $0x1900  }
0x68: {  	[sflag:s29] =	ssyncset.done $0x0  }
0x69: {  	s15 =	sadd.s32 $0xE00, s7;
	s11 =	simm.s32 @!p0 $0xC;
	[sflag:s29] =	ssyncadd.s32 $0xFFFFE700  }
0x6a: {  	[hbm4b:s15+s3] =	stream.linear.scatter [tilespmem:s18], [sflag:$0xD], $0x1900, $0x38;
	[tilespmem:$0x12000] =	vst v63  }
0x6b: {  	_ =	swait.ge @!p0 [sflag:s11], $0x1900  }
0x6c: {  	[sflag:s11] =	ssyncset.done @!p0 $0x0  }
0x6d: {  	s15 =	simm.s32 @!p0 $0x9400;
	[sflag:s11] =	ssyncadd.s32 @!p0 $0xFFFFE700;
	s11 =	sadd.s32 @!p0 $0x580, s2  }
0x6e: {  	[tilespmem:s15], [sflag:$0x4] =	stream.indirect.gather @!p0 [hbm4b:s1+s13], $0x80, s11, s13, $0xb8;
	[tilespmem:$0x12000] =	vst v63  }
0x6f: {  	_ =	swait.ge [sflag:s30], $0x1900  }
0x70: {  	[sflag:s30] =	ssyncset.done $0x0  }
0x71: {  	s15 =	sadd.s32 $0x1180, s7;
	s11 =	simm.s32 @!p0 $0xD;
	[sflag:s30] =	ssyncadd.s32 $0xFFFFE700  }
0x72: {  	[hbm4b:s15+s3] =	stream.linear.scatter [tilespmem:s20], [sflag:$0xE], $0x1900, $0x38;
	[tilespmem:$0x12000] =	vst v63  }
0x73: {  	_ =	swait.ge @!p0 [sflag:s11], $0x1900  }
0x74: {  	[sflag:s11] =	ssyncset.done @!p0 $0x0  }
0x75: {  	s2 =	sadd.s32 @!p0 $0x600, s2;
	[sflag:s11] =	ssyncadd.s32 @!p0 $0xFFFFE700;
	s11 =	simm.s32 @!p0 $0xB000  }
0x76: {  	[tilespmem:s11], [sflag:$0x5] =	stream.indirect.gather @!p0 [hbm4b:s1+s13], $0x80, s2, s13, $0xb8;
	[tilespmem:$0x12000] =	vst v63  }
.Ltmp2:
0x77: {  	_ = 	snop;
	(pc) =	sbr.rel @p0 .LBB2_4-.Ltmp2, $4  }
0x78: {  	_ =	swait.ge [sflag:s31], $0x1900  }
0x79: {  	[sflag:s31] =	ssyncset.done $0x0  }
0x7a: {  	s15 =	sadd.s32 $0x1500, s7;
	[sflag:s31] =	ssyncadd.s32 $0xFFFFE700  }
0x7b: {  	[hbm4b:s15+s3] =	stream.linear.scatter [tilespmem:s22], [sflag:$0xF], $0x1900, $0x38;
	[tilespmem:$0x12000] =	vst v63  }
0x7c: {  	_ =	swait.ge [sflag:s19], $0x1900  }
0x7d: {  	[sflag:s19] =	ssyncset.done $0x0  }
0x7e: {  	s2 =	sadd.s32 $0x680, s8;
	[sflag:s19] =	ssyncadd.s32 $0xFFFFE700  }
0x7f: {  	[tilespmem:s20], [sflag:$0x6] =	stream.indirect.gather [hbm4b:s1+s9], $0x80, s2, s9, $0xb8;
	[tilespmem:$0x12000] =	vst v63  }
0x80: {  	_ =	swait.ge [sflag:s0], $0x1900  }
0x81: {  	[sflag:s0] =	ssyncset.done $0x0  }
0x82: {  	s13 =	sadd.s32 $0x1880, s7;
	[sflag:s0] =	ssyncadd.s32 $0xFFFFE700  }
0x83: {  	[hbm4b:s13+s3] =	stream.linear.scatter [tilespmem:s24], [sflag:$0x10], $0x1900, $0x38;
	[tilespmem:$0x12000] =	vst v63  }
.Ltmp3:
0x84: {  	_ = 	snop;
	(pc) =	sbr.rel .LBB2_2-.Ltmp3, $4  }
0x85: {  	_ =	swait.ge [sflag:s21], $0x1900  }
0x86: {  	s15 =	sadd.s32 $0x700, s8;
	[sflag:s21] =	ssyncset.done $0x0  }
0x87: {  	s6 =	sadd.s32 $0x1000, s6;
	s7 =	sadd.s32 $0x1C00, s7;
	[sflag:s21] =	ssyncadd.s32 $0xFFFFE700  }
0x88: {  	[tilespmem:s22], [sflag:$0x7] =	stream.indirect.gather [hbm4b:s1+s9], $0x80, s15, s9, $0xb8;
	[tilespmem:$0x12000] =	vst v63  }
.LBB2_5:
0x89: {  	_ =	sfence.sel $0x180000  }
0x8a: {  	[bflag:$0x0] =	sbarrier.arrive $0xFFFF  }
0x8b: {  	_ =	strace $0x90000047  }
0x8c: {  	s0 =	stileid.u32;
	[bflag:$0x2] =	sbarrier.arrive $0xFFFF  }
0x8d: {  	p0 =	sne.s32 s0, $0x0;
	s0 =	rddreg [dreg:$0x3]  }
0x8e: {  	s0 =	sadd.s32 @!p0 $0x100000, s0  }
0x8f: {  	[sflag:s0] =	ssyncadd.tile.s32 @!p0 $0x1;
	_ =	shalt  }
.Lfunc_end2:
_tile_overlayer_lowered:
.L_overlay_start_2:
0x90: {  	(tag) =	ssettag $0x2  }
0x91: {  	s0 =	rddreg [dreg:$0x0];
	s2 =	stileid.u32  }
0x92: {  	s1 =	rddreg [dreg:$0x1];
	p0 =	sne.s32 s2, $0x0  }
0x93: {  	s3 =	rddreg [dreg:$0x2];
	[bflag:$0x3] =	sbarrier.arrive $0xFFFF;
	s2 =	simm.s32 @!p0 $0x1C11  }
0x94: {  	[timem:s3], [sflag:s2] =	dma.local @!p0 [hbm:s0], s1  }
0x95: {  	s0 =	simm.s32 @!p0 $0x11  }
0x96: {  	_ =	swait.ge @!p0 [sflag:s0], s1  }
0x97: {  	s1 =	ssub.s32 @!p0 $0x0, s1;
	[sflag:s0] =	ssyncset.done @!p0 $0x0  }
0x98: {  	[sflag:s0] =	ssyncadd.s32 @!p0 s1  }
0x99: {  	[bflag:$0x3] =	sbarrier.arrive $0xFFFF  }
0x9a: {  	_ =	shalt  }

</sc_bundles>
